<compile_context>
chip_gen: v7x
topology: tpu7x:2x2x1
jax: 0.10.2.dev20260603
libtpu: 0.0.44.dev20260713+nightly
codegen_flags: <defaults>
</compile_context>

<pallas_src>
import functools

import jax
import jax.numpy as jnp
from jax import lax
from jax.experimental import pallas as pl
from jax.experimental.pallas import tpu as pltpu
from jax.experimental.pallas import tpu_sc as plsc

N = 10000
E = 320000
D = 128
H = 64
G = 64
CF = 5

NC = 2
NS = 16
NW = NC * NS
LANES = 128
N_PAD = 10240
RPT = N_PAD // NS
CH = 79
EPT = CH * LANES
E_PAD = EPT * NW

_f32 = jnp.float32
_i32 = jnp.int32

_sc_mesh = plsc.VectorSubcoreMesh(core_axis_name="c", subcore_axis_name="s")


@functools.partial(
    pl.kernel,
    out_type=jax.ShapeDtypeStruct((NC, N_PAD), _f32),
    mesh=_sc_mesh,
    scratch_types=[
        pltpu.VMEM((CH, LANES), _i32),
        pltpu.VMEM((RPT,), _f32),
        pltpu.VMEM_SHARED((N_PAD,), _f32),
        pltpu.SemaphoreType.DMA,
    ],
)
def _deg_kernel(dst_hbm, out_hbm, dstv, buf, sdeg, sem):
    cid = lax.axis_index("c")
    sid = lax.axis_index("s")
    wid = cid * NS + sid

    zeros16 = jnp.zeros((16,), _f32)

    def zero_body(i, _):
        buf[pl.ds(i * 16, 16)] = zeros16
        return 0

    lax.fori_loop(0, RPT // 16, zero_body, 0)
    pltpu.sync_copy(buf, sdeg.at[pl.ds(sid * RPT, RPT)])

    pltpu.sync_copy(dst_hbm.at[wid], dstv)

    ones16 = jnp.ones((16,), _f32)

    def ones_body(i, _):
        buf[pl.ds(i * 16, 16)] = ones16
        return 0

    lax.fori_loop(0, LANES // 16, ones_body, 0)
    plsc.subcore_barrier()

    def chunk(j, _):
        pltpu.async_copy(buf.at[pl.ds(0, LANES)], sdeg.at[dstv.at[j]],
                         sem, add=True).wait()
        return 0

    lax.fori_loop(0, CH, chunk, 0)

    plsc.subcore_barrier()
    pltpu.sync_copy(sdeg.at[pl.ds(sid * RPT, RPT)],
                    out_hbm.at[cid, pl.ds(sid * RPT, RPT)])


@functools.partial(
    pl.kernel,
    out_type=jax.ShapeDtypeStruct((NC, N_PAD, H), _f32),
    mesh=_sc_mesh,
    scratch_types=[
        pltpu.VMEM((CH, LANES), _i32),
        pltpu.VMEM((CH, LANES), _i32),
        pltpu.VMEM((LANES, H), _f32),
        pltpu.VMEM_SHARED((N_PAD, H), _f32),
        pltpu.SemaphoreType.DMA,
        pltpu.SemaphoreType.DMA,
    ],
    compiler_params=pltpu.CompilerParams(use_tc_tiling_on_sc=False),
)
def _mp_kernel(z_hbm, src_hbm, dst_hbm, out_hbm, srcv, dstv, rows, acc, gsem, ssem):
    cid = lax.axis_index("c")
    sid = lax.axis_index("s")
    wid = cid * NS + sid

    zeros16 = jnp.zeros((16,), _f32)

    def zrow(i, _):
        for l in range(H // 16):
            rows[i, pl.ds(l * 16, 16)] = zeros16
        return 0

    lax.fori_loop(0, LANES, zrow, 0)
    for b in range(RPT // LANES):
        pltpu.sync_copy(rows, acc.at[pl.ds(sid * RPT + b * LANES, LANES)])

    pltpu.sync_copy(src_hbm.at[wid], srcv)
    pltpu.sync_copy(dst_hbm.at[wid], dstv)
    plsc.subcore_barrier()

    def chunk(j, _):
        pltpu.async_copy(z_hbm.at[srcv.at[j]], rows, gsem).wait()
        pltpu.async_copy(rows, acc.at[dstv.at[j]], ssem, add=True).wait()
        return 0

    lax.fori_loop(0, CH, chunk, 0)

    plsc.subcore_barrier()
    pltpu.sync_copy(acc.at[pl.ds(sid * RPT, RPT)],
                    out_hbm.at[cid, pl.ds(sid * RPT, RPT)])


def _k1_body(dega, degb, x, w1, z1, dinv):
    deg = 1.0 + dega[...] + degb[...]
    di = lax.rsqrt(deg)
    dinv[...] = di
    z1[...] = jnp.dot(x[...], w1[...], preferred_element_type=_f32) * di


def _k2_body(ya, yb, z, dinv, b, w, zn):
    di = dinv[...]
    h = jnp.maximum(di * (ya[...] + yb[...] + z[...]) + b[...], 0.0)
    zn[...] = jnp.dot(h, w[...], preferred_element_type=_f32) * di


def _k3_body(ya, yb, z, dinv, b, h_out):
    h_out[...] = jnp.maximum(
        dinv[...] * (ya[...] + yb[...] + z[...]) + b[...], 0.0)


def _pool_body(h3, b64, clos, wc, bc, wa1, ba1, wa2, ba2, out, att_scr):
    h = h3[...]
    bb = b64[...]
    gid = lax.broadcasted_iota(_i32, (N, G), 1)
    mbool = bb == gid
    mt = mbool.astype(_f32)

    wc64 = wc[...] * jnp.ones((1, G), _f32)
    c_b = jnp.dot(clos[...], wc64, preferred_element_type=_f32) + bc[0, 0]

    eye = (lax.broadcasted_iota(_i32, (G, G), 0)
           == lax.broadcasted_iota(_i32, (G, G), 1)).astype(_f32)
    ones_g = jnp.ones((G, G), _f32)

    neg_inf = _f32(-jnp.inf)
    m = jnp.max(jnp.where(mbool, c_b, neg_inf), axis=0, keepdims=True)
    mg = jnp.where(m == neg_inf, 0.0, m)
    m_bc = jnp.dot(eye * mg, ones_g, preferred_element_type=_f32)
    mnode = jnp.dot(mt, m_bc, preferred_element_type=_f32)
    e_b = jnp.exp(c_b - mnode)
    s = jnp.sum(mt * e_b, axis=0, keepdims=True)
    counts = jnp.sum(mt, axis=0, keepdims=True)
    factor = jnp.where(counts > 0, counts / s, 0.0)
    f_bc = jnp.dot(eye * factor, ones_g, preferred_element_type=_f32)
    fnode = jnp.dot(mt, f_bc, preferred_element_type=_f32)
    wh = e_b * fnode * h

    def seg_body(g, _):
        sel = jnp.where(bb == g, wh, neg_inf)
        att_scr[pl.ds(g, 1), :] = jnp.max(sel, axis=0, keepdims=True)
        return 0

    lax.fori_loop(0, G, seg_body, 0)

    att = att_scr[...]
    att = jnp.where(att == neg_inf, 0.0, att)
    a1 = jnp.maximum(jnp.dot(att, wa1[...], preferred_element_type=_f32)
                     + ba1[...], 0.0)
    out[...] = jnp.dot(a1, wa2[...], preferred_element_type=_f32) + ba2[...]


def _tc_call(body, out_shapes, *args, scratch_shapes=()):
    return pl.pallas_call(
        body,
        out_shape=out_shapes,
        scratch_shapes=scratch_shapes,
    )(*args)


def kernel(x, edge_index, closenes_feature, batch, W1, b1, W2, b2, W3, b3,
           Wc, bc, Wa1, ba1, Wa2, ba2):
    src = edge_index[0]
    dst = edge_index[1]
    pad = jnp.full((E_PAD - E,), N, _i32)
    src3 = jnp.concatenate([src, pad]).reshape(NW, CH, LANES)
    dst3 = jnp.concatenate([dst, pad]).reshape(NW, CH, LANES)
    x_pad = jnp.pad(x, ((0, N_PAD - N), (0, 0)))

    degp = _deg_kernel(dst3)
    dega = degp[0].reshape(N_PAD, 1)
    degb = degp[1].reshape(N_PAD, 1)

    z1, dinv = _tc_call(
        _k1_body,
        (jax.ShapeDtypeStruct((N_PAD, H), _f32),
         jax.ShapeDtypeStruct((N_PAD, 1), _f32)),
        dega, degb, x_pad, W1)

    y1 = _mp_kernel(z1, src3, dst3)
    z2 = _tc_call(_k2_body, jax.ShapeDtypeStruct((N_PAD, H), _f32),
                  y1[0], y1[1], z1, dinv, b1.reshape(1, H), W2)
    y2 = _mp_kernel(z2, src3, dst3)
    z3 = _tc_call(_k2_body, jax.ShapeDtypeStruct((N_PAD, H), _f32),
                  y2[0], y2[1], z2, dinv, b2.reshape(1, H), W3)
    y3 = _mp_kernel(z3, src3, dst3)

    h3 = _tc_call(_k3_body, jax.ShapeDtypeStruct((N_PAD, H), _f32),
                  y3[0], y3[1], z3, dinv, b3.reshape(1, H))
    b64 = jnp.broadcast_to(batch.reshape(N, 1), (N, G))
    out = _tc_call(
        _pool_body,
        jax.ShapeDtypeStruct((G, 1), _f32),
        h3[:N], b64, closenes_feature,
        Wc, bc.reshape(1, 1), Wa1, ba1.reshape(1, 16),
        Wa2, ba2.reshape(1, 1),
        scratch_shapes=[pltpu.VMEM((G, H), _f32)],
    )
    return out

# --- scband reference (transcript-rebuilt; emitter-appended) ---
"""Pipeline reference for scband-structural-gcn-21586505630435 (READ-ONLY COPY).

The authoritative reference and input builder live on the scoring server;
editing this copy changes nothing except your own understanding.
"""

import jax, jax.numpy as jnp
import numpy as np

N = 10000
E = 320000
D = 128
H = 64
G = 64
CF = 5
YS = 1


def setup_inputs(seed: int = 0) -> dict:
    key = jax.random.key(seed)
    ks = jax.random.split(key, 20)
    x = jax.random.normal(ks[0], (N, D), dtype=jnp.float32)
    edge_index = jax.random.randint(ks[1], (2, E), 0, N, dtype=jnp.int32)
    closenes_feature = jax.random.uniform(ks[2], (N, CF), dtype=jnp.float32)
    batch = jnp.sort(jax.random.randint(ks[3], (N,), 0, G, dtype=jnp.int32))
    def w(k, shape, fan_in):
        return jax.random.normal(k, shape, dtype=jnp.float32) * (1.0 / np.sqrt(fan_in))
    return {
        'x': x,
        'edge_index': edge_index,
        'closenes_feature': closenes_feature,
        'batch': batch,
        'W1': w(ks[4], (D, H), D), 'b1': jnp.zeros((H,), jnp.float32),
        'W2': w(ks[5], (H, H), H), 'b2': jnp.zeros((H,), jnp.float32),
        'W3': w(ks[6], (H, H), H), 'b3': jnp.zeros((H,), jnp.float32),
        'Wc': w(ks[7], (CF, 1), CF), 'bc': jnp.zeros((1,), jnp.float32),
        'Wa1': w(ks[8], (H, 16), H), 'ba1': jnp.zeros((16,), jnp.float32),
        'Wa2': w(ks[9], (16, YS), 16), 'ba2': jnp.zeros((YS,), jnp.float32),
    }


def _gcn_conv(x, src, dst, W, b):
    n = x.shape[0]
    loop = jnp.arange(n, dtype=src.dtype)
    s = jnp.concatenate([src, loop])
    d = jnp.concatenate([dst, loop])
    ew = jnp.ones(s.shape[0], dtype=jnp.float32)
    deg = jax.ops.segment_sum(ew, d, num_segments=n)
    dinv = jnp.where(deg > 0, 1.0 / jnp.sqrt(deg), 0.0)
    norm = dinv[s] * ew * dinv[d]
    h = x @ W
    out = jax.ops.segment_sum(h[s] * norm[:, None], d, num_segments=n)
    return out + b


def reference(x, edge_index, closenes_feature, batch, W1, b1, W2, b2, W3, b3, Wc, bc, Wa1, ba1, Wa2, ba2):
    src = edge_index[0]
    dst = edge_index[1]
    h = jax.nn.relu(_gcn_conv(x, src, dst, W1, b1))
    h = jax.nn.relu(_gcn_conv(h, src, dst, W2, b2))
    h = jax.nn.relu(_gcn_conv(h, src, dst, W3, b3))
    # closeness attention, softmax within each graph (dim=0 per segment)
    c = (closenes_feature @ Wc + bc)[:, 0]  # [N]
    m = jax.ops.segment_max(c, batch, num_segments=G)
    mg = jnp.where(jnp.isfinite(m), m, 0.0)
    e = jnp.exp(c - mg[batch])
    s = jax.ops.segment_sum(e, batch, num_segments=G)
    p = e / s[batch]
    counts = jax.ops.segment_sum(jnp.ones((h.shape[0],), jnp.float32), batch, num_segments=G)
    wgt = p * counts[batch]  # softmax * curr_size, per node
    att = jax.ops.segment_max(wgt[:, None] * h, batch, num_segments=G)  # [G, H] self_max aggregator
    att = jnp.where(jnp.isfinite(att), att, 0.0)
    att = jax.nn.relu(att @ Wa1 + ba1)
    out = att @ Wa2 + ba2  # [G, YS]
    return out

if __name__ == "__main__":
    import jax
    _d = setup_inputs()
    print(jax.jit(kernel)(*tuple(_d.values())))

</pallas_src>

<mosaic_0001>
#map = affine_map<(d0, d1) -> (0, 0)>
#map1 = affine_map<(d0, d1) -> (0, 0, 0)>
module attributes {stable_mosaic.version = 14 : i64} {
  func.func @_mp_kernel(%arg0: i32, %arg1: i32, %arg2: memref<10240x64xf32, #tpu.memory_space<hbm>>, %arg3: memref<32x79x128xi32, #tpu.memory_space<hbm>>, %arg4: memref<32x79x128xi32, #tpu.memory_space<hbm>>, %arg5: memref<2x10240x64xf32, #tpu.memory_space<hbm>>, %arg6: memref<79x128xi32, #tpu.memory_space<vmem>>, %arg7: memref<79x128xi32, #tpu.memory_space<vmem>>, %arg8: memref<128x64xf32, #tpu.memory_space<vmem>>, %arg9: memref<10240x64xf32, #tpu.memory_space<vmem_shared>>, %arg10: memref<!tpu.dma_semaphore, #tpu.memory_space<semaphore_mem>>, %arg11: memref<!tpu.dma_semaphore, #tpu.memory_space<semaphore_mem>>) attributes {dimension_semantics = [#tpu.dimension_semantics<core_parallel>, #tpu.dimension_semantics<subcore_parallel>], iteration_bounds = array<i64: 2, 16>, scalar_prefetch = 0 : i64, scratch_operands = 6 : i64, tpu.core_type = #tpu.core_type<sc_vector_subcore>, window_params = [{transform_indices = #map}, {transform_indices = #map1}, {transform_indices = #map1}, {transform_indices = #map1}]} {
    %mul3A = arith.constant 16 : i32
    %mul3A_0 = arith.muli %arg0, %mul3A : i32
    %add3A = arith.addi %mul3A_0, %arg1 : i32
    %broadcast_in_dim3A = arith.constant 0.000000e+00 : f32
    %broadcast_in_dim3A_1 = vector.broadcast %broadcast_in_dim3A : f32 to vector<16xf32>
    %scan3A = arith.constant 0 : i32
    %scan3A_2 = arith.constant 0 : i32
    %scan3A_3 = arith.constant 128 : i32
    %scan3A_4 = arith.addi %scan3A_2, %scan3A_3 : i32
    %scan3A_5 = arith.constant 1 : i32
    %scan3A_6 = scf.for %scan3A_40 = %scan3A_2 to %scan3A_4 step %scan3A_5 iter_args(%scan3A_41 = %scan3A) -> (i32)  : i32 {
      %swap3A = arith.index_cast %scan3A_40 : i32 to index
      %swap3A_42 = arith.constant 0 : index
      %swap3A_43 = tpu.vector_load %arg8[%swap3A, %swap3A_42] {strides = array<i32>} : memref<128x64xf32, #tpu.memory_space<vmem>>, vector<1x16xf32>,
      %swap3A_44 = vector.shape_cast %swap3A_43 : vector<1x16xf32> to vector<16xf32>
      %swap3A_45 = vector.shape_cast %broadcast_in_dim3A_1 : vector<16xf32> to vector<1x16xf32>
      tpu.vector_store %arg8[%swap3A, %swap3A_42], %swap3A_45 {strides = array<i32>} : memref<128x64xf32, #tpu.memory_space<vmem>>, vector<1x16xf32>,
      %swap3A_46 = arith.index_cast %scan3A_40 : i32 to index
      %swap3A_47 = arith.constant 16 : index
      %swap3A_48 = tpu.vector_load %arg8[%swap3A_46, %swap3A_47] {strides = array<i32>} : memref<128x64xf32, #tpu.memory_space<vmem>>, vector<1x16xf32>,
      %swap3A_49 = vector.shape_cast %swap3A_48 : vector<1x16xf32> to vector<16xf32>
      %swap3A_50 = vector.shape_cast %broadcast_in_dim3A_1 : vector<16xf32> to vector<1x16xf32>
      tpu.vector_store %arg8[%swap3A_46, %swap3A_47], %swap3A_50 {strides = array<i32>} : memref<128x64xf32, #tpu.memory_space<vmem>>, vector<1x16xf32>,
      %swap3A_51 = arith.index_cast %scan3A_40 : i32 to index
      %swap3A_52 = arith.constant 32 : index
      %swap3A_53 = tpu.vector_load %arg8[%swap3A_51, %swap3A_52] {strides = array<i32>} : memref<128x64xf32, #tpu.memory_space<vmem>>, vector<1x16xf32>,
      %swap3A_54 = vector.shape_cast %swap3A_53 : vector<1x16xf32> to vector<16xf32>
      %swap3A_55 = vector.shape_cast %broadcast_in_dim3A_1 : vector<16xf32> to vector<1x16xf32>
      tpu.vector_store %arg8[%swap3A_51, %swap3A_52], %swap3A_55 {strides = array<i32>} : memref<128x64xf32, #tpu.memory_space<vmem>>, vector<1x16xf32>,
      %swap3A_56 = arith.index_cast %scan3A_40 : i32 to index
      %swap3A_57 = arith.constant 48 : index
      %swap3A_58 = tpu.vector_load %arg8[%swap3A_56, %swap3A_57] {strides = array<i32>} : memref<128x64xf32, #tpu.memory_space<vmem>>, vector<1x16xf32>,
      %swap3A_59 = vector.shape_cast %swap3A_58 : vector<1x16xf32> to vector<16xf32>
      %swap3A_60 = vector.shape_cast %broadcast_in_dim3A_1 : vector<16xf32> to vector<1x16xf32>
      tpu.vector_store %arg8[%swap3A_56, %swap3A_57], %swap3A_60 {strides = array<i32>} : memref<128x64xf32, #tpu.memory_space<vmem>>, vector<1x16xf32>,
      %scan3A_61 = arith.constant 0 : i32
      scf.yield %scan3A_61 : i32
    }
    %scan3A_7 = arith.constant 128 : i32
    %mul3A_8 = arith.constant 640 : i32
    %mul3A_9 = arith.muli %arg1, %mul3A_8 : i32
    %add3A_10 = arith.constant 0 : i32
    %add3A_11 = arith.addi %mul3A_9, %add3A_10 : i32
    "tpu.region"() ({
      %run_scoped3A = tpu.sem_alloc : memref<!tpu.dma_semaphore, #tpu.memory_space<semaphore_mem>>
      %dma_start3A = arith.constant 0 : i32
      %dma_start3A_40 = tpu.memref_slice %arg9[%add3A_11, %dma_start3A] : memref<10240x64xf32, #tpu.memory_space<vmem_shared>> -> memref<128x64xf32, #tpu.memory_space<vmem_shared>>
      %dma_start3A_41 = arith.constant 0 : i32
      %dma_start3A_42 = tpu.memref_slice %arg9[%add3A_11, %dma_start3A_41] : memref<10240x64xf32, #tpu.memory_space<vmem_shared>> -> memref<128x64xf32, #tpu.memory_space<vmem_shared>>
      tpu.enqueue_dma source(%arg8 : memref<128x64xf32, #tpu.memory_space<vmem>>) target(%dma_start3A_42 : memref<128x64xf32, #tpu.memory_space<vmem_shared>>) target_semaphore(%run_scoped3A : memref<!tpu.dma_semaphore, #tpu.memory_space<semaphore_mem>>)
      %dma_wait3A = arith.constant 0 : i32
      %dma_wait3A_43 = tpu.memref_slice %arg9[%add3A_11, %dma_wait3A] : memref<10240x64xf32, #tpu.memory_space<vmem_shared>> -> memref<128x64xf32, #tpu.memory_space<vmem_shared>>
      %dma_wait3A_44 = arith.constant 0 : i32
      %dma_wait3A_45 = tpu.memref_slice %arg9[%add3A_11, %dma_wait3A_44] : memref<10240x64xf32, #tpu.memory_space<vmem_shared>> -> memref<128x64xf32, #tpu.memory_space<vmem_shared>>
      tpu.wait_dma2 semaphore(%run_scoped3A : memref<!tpu.dma_semaphore, #tpu.memory_space<semaphore_mem>>) src(%arg8 : memref<128x64xf32, #tpu.memory_space<vmem>>) dst(%dma_wait3A_45 : memref<128x64xf32, #tpu.memory_space<vmem_shared>>)
      tpu.yield
    }) : () -> ()
    %mul3A_12 = arith.constant 640 : i32
    %mul3A_13 = arith.muli %arg1, %mul3A_12 : i32
    %add3A_14 = arith.constant 128 : i32
    %add3A_15 = arith.addi %mul3A_13, %add3A_14 : i32
    "tpu.region"() ({
      %run_scoped3A = tpu.sem_alloc : memref<!tpu.dma_semaphore, #tpu.memory_space<semaphore_mem>>
      %dma_start3A = arith.constant 0 : i32
      %dma_start3A_40 = tpu.memref_slice %arg9[%add3A_15, %dma_start3A] : memref<10240x64xf32, #tpu.memory_space<vmem_shared>> -> memref<128x64xf32, #tpu.memory_space<vmem_shared>>
      %dma_start3A_41 = arith.constant 0 : i32
      %dma_start3A_42 = tpu.memref_slice %arg9[%add3A_15, %dma_start3A_41] : memref<10240x64xf32, #tpu.memory_space<vmem_shared>> -> memref<128x64xf32, #tpu.memory_space<vmem_shared>>
      tpu.enqueue_dma source(%arg8 : memref<128x64xf32, #tpu.memory_space<vmem>>) target(%dma_start3A_42 : memref<128x64xf32, #tpu.memory_space<vmem_shared>>) target_semaphore(%run_scoped3A : memref<!tpu.dma_semaphore, #tpu.memory_space<semaphore_mem>>)
      %dma_wait3A = arith.constant 0 : i32
      %dma_wait3A_43 = tpu.memref_slice %arg9[%add3A_15, %dma_wait3A] : memref<10240x64xf32, #tpu.memory_space<vmem_shared>> -> memref<128x64xf32, #tpu.memory_space<vmem_shared>>
      %dma_wait3A_44 = arith.constant 0 : i32
      %dma_wait3A_45 = tpu.memref_slice %arg9[%add3A_15, %dma_wait3A_44] : memref<10240x64xf32, #tpu.memory_space<vmem_shared>> -> memref<128x64xf32, #tpu.memory_space<vmem_shared>>
      tpu.wait_dma2 semaphore(%run_scoped3A : memref<!tpu.dma_semaphore, #tpu.memory_space<semaphore_mem>>) src(%arg8 : memref<128x64xf32, #tpu.memory_space<vmem>>) dst(%dma_wait3A_45 : memref<128x64xf32, #tpu.memory_space<vmem_shared>>)
      tpu.yield
    }) : () -> ()
    %mul3A_16 = arith.constant 640 : i32
    %mul3A_17 = arith.muli %arg1, %mul3A_16 : i32
    %add3A_18 = arith.constant 256 : i32
    %add3A_19 = arith.addi %mul3A_17, %add3A_18 : i32
    "tpu.region"() ({
      %run_scoped3A = tpu.sem_alloc : memref<!tpu.dma_semaphore, #tpu.memory_space<semaphore_mem>>
      %dma_start3A = arith.constant 0 : i32
      %dma_start3A_40 = tpu.memref_slice %arg9[%add3A_19, %dma_start3A] : memref<10240x64xf32, #tpu.memory_space<vmem_shared>> -> memref<128x64xf32, #tpu.memory_space<vmem_shared>>
      %dma_start3A_41 = arith.constant 0 : i32
      %dma_start3A_42 = tpu.memref_slice %arg9[%add3A_19, %dma_start3A_41] : memref<10240x64xf32, #tpu.memory_space<vmem_shared>> -> memref<128x64xf32, #tpu.memory_space<vmem_shared>>
      tpu.enqueue_dma source(%arg8 : memref<128x64xf32, #tpu.memory_space<vmem>>) target(%dma_start3A_42 : memref<128x64xf32, #tpu.memory_space<vmem_shared>>) target_semaphore(%run_scoped3A : memref<!tpu.dma_semaphore, #tpu.memory_space<semaphore_mem>>)
      %dma_wait3A = arith.constant 0 : i32
      %dma_wait3A_43 = tpu.memref_slice %arg9[%add3A_19, %dma_wait3A] : memref<10240x64xf32, #tpu.memory_space<vmem_shared>> -> memref<128x64xf32, #tpu.memory_space<vmem_shared>>
      %dma_wait3A_44 = arith.constant 0 : i32
      %dma_wait3A_45 = tpu.memref_slice %arg9[%add3A_19, %dma_wait3A_44] : memref<10240x64xf32, #tpu.memory_space<vmem_shared>> -> memref<128x64xf32, #tpu.memory_space<vmem_shared>>
      tpu.wait_dma2 semaphore(%run_scoped3A : memref<!tpu.dma_semaphore, #tpu.memory_space<semaphore_mem>>) src(%arg8 : memref<128x64xf32, #tpu.memory_space<vmem>>) dst(%dma_wait3A_45 : memref<128x64xf32, #tpu.memory_space<vmem_shared>>)
      tpu.yield
    }) : () -> ()
    %mul3A_20 = arith.constant 640 : i32
    %mul3A_21 = arith.muli %arg1, %mul3A_20 : i32
    %add3A_22 = arith.constant 384 : i32
    %add3A_23 = arith.addi %mul3A_21, %add3A_22 : i32
    "tpu.region"() ({
      %run_scoped3A = tpu.sem_alloc : memref<!tpu.dma_semaphore, #tpu.memory_space<semaphore_mem>>
      %dma_start3A = arith.constant 0 : i32
      %dma_start3A_40 = tpu.memref_slice %arg9[%add3A_23, %dma_start3A] : memref<10240x64xf32, #tpu.memory_space<vmem_shared>> -> memref<128x64xf32, #tpu.memory_space<vmem_shared>>
      %dma_start3A_41 = arith.constant 0 : i32
      %dma_start3A_42 = tpu.memref_slice %arg9[%add3A_23, %dma_start3A_41] : memref<10240x64xf32, #tpu.memory_space<vmem_shared>> -> memref<128x64xf32, #tpu.memory_space<vmem_shared>>
      tpu.enqueue_dma source(%arg8 : memref<128x64xf32, #tpu.memory_space<vmem>>) target(%dma_start3A_42 : memref<128x64xf32, #tpu.memory_space<vmem_shared>>) target_semaphore(%run_scoped3A : memref<!tpu.dma_semaphore, #tpu.memory_space<semaphore_mem>>)
      %dma_wait3A = arith.constant 0 : i32
      %dma_wait3A_43 = tpu.memref_slice %arg9[%add3A_23, %dma_wait3A] : memref<10240x64xf32, #tpu.memory_space<vmem_shared>> -> memref<128x64xf32, #tpu.memory_space<vmem_shared>>
      %dma_wait3A_44 = arith.constant 0 : i32
      %dma_wait3A_45 = tpu.memref_slice %arg9[%add3A_23, %dma_wait3A_44] : memref<10240x64xf32, #tpu.memory_space<vmem_shared>> -> memref<128x64xf32, #tpu.memory_space<vmem_shared>>
      tpu.wait_dma2 semaphore(%run_scoped3A : memref<!tpu.dma_semaphore, #tpu.memory_space<semaphore_mem>>) src(%arg8 : memref<128x64xf32, #tpu.memory_space<vmem>>) dst(%dma_wait3A_45 : memref<128x64xf32, #tpu.memory_space<vmem_shared>>)
      tpu.yield
    }) : () -> ()
    %mul3A_24 = arith.constant 640 : i32
    %mul3A_25 = arith.muli %arg1, %mul3A_24 : i32
    %add3A_26 = arith.constant 512 : i32
    %add3A_27 = arith.addi %mul3A_25, %add3A_26 : i32
    "tpu.region"() ({
      %run_scoped3A = tpu.sem_alloc : memref<!tpu.dma_semaphore, #tpu.memory_space<semaphore_mem>>
      %dma_start3A = arith.constant 0 : i32
      %dma_start3A_40 = tpu.memref_slice %arg9[%add3A_27, %dma_start3A] : memref<10240x64xf32, #tpu.memory_space<vmem_shared>> -> memref<128x64xf32, #tpu.memory_space<vmem_shared>>
      %dma_start3A_41 = arith.constant 0 : i32
      %dma_start3A_42 = tpu.memref_slice %arg9[%add3A_27, %dma_start3A_41] : memref<10240x64xf32, #tpu.memory_space<vmem_shared>> -> memref<128x64xf32, #tpu.memory_space<vmem_shared>>
      tpu.enqueue_dma source(%arg8 : memref<128x64xf32, #tpu.memory_space<vmem>>) target(%dma_start3A_42 : memref<128x64xf32, #tpu.memory_space<vmem_shared>>) target_semaphore(%run_scoped3A : memref<!tpu.dma_semaphore, #tpu.memory_space<semaphore_mem>>)
      %dma_wait3A = arith.constant 0 : i32
      %dma_wait3A_43 = tpu.memref_slice %arg9[%add3A_27, %dma_wait3A] : memref<10240x64xf32, #tpu.memory_space<vmem_shared>> -> memref<128x64xf32, #tpu.memory_space<vmem_shared>>
      %dma_wait3A_44 = arith.constant 0 : i32
      %dma_wait3A_45 = tpu.memref_slice %arg9[%add3A_27, %dma_wait3A_44] : memref<10240x64xf32, #tpu.memory_space<vmem_shared>> -> memref<128x64xf32, #tpu.memory_space<vmem_shared>>
      tpu.wait_dma2 semaphore(%run_scoped3A : memref<!tpu.dma_semaphore, #tpu.memory_space<semaphore_mem>>) src(%arg8 : memref<128x64xf32, #tpu.memory_space<vmem>>) dst(%dma_wait3A_45 : memref<128x64xf32, #tpu.memory_space<vmem_shared>>)
      tpu.yield
    }) : () -> ()
    "tpu.region"() ({
      %run_scoped3A = tpu.sem_alloc : memref<!tpu.dma_semaphore, #tpu.memory_space<semaphore_mem>>
      %dma_start3A = arith.constant 0 : i32
      %dma_start3A_40 = arith.constant 0 : i32
      %dma_start3A_41 = tpu.memref_slice %arg3[%add3A, %dma_start3A, %dma_start3A_40] : memref<32x79x128xi32, #tpu.memory_space<hbm>> -> memref<1x79x128xi32, #tpu.memory_space<hbm>>
      %dma_start3A_42 = tpu.memref_squeeze %dma_start3A_41 : memref<1x79x128xi32, #tpu.memory_space<hbm>> -> memref<79x128xi32, #tpu.memory_space<hbm>>
      %dma_start3A_43 = arith.constant 0 : i32
      %dma_start3A_44 = arith.constant 0 : i32
      %dma_start3A_45 = tpu.memref_slice %arg3[%add3A, %dma_start3A_43, %dma_start3A_44] : memref<32x79x128xi32, #tpu.memory_space<hbm>> -> memref<1x79x128xi32, #tpu.memory_space<hbm>>
      %dma_start3A_46 = tpu.memref_squeeze %dma_start3A_45 : memref<1x79x128xi32, #tpu.memory_space<hbm>> -> memref<79x128xi32, #tpu.memory_space<hbm>>
      tpu.enqueue_dma source(%dma_start3A_46 : memref<79x128xi32, #tpu.memory_space<hbm>>) target(%arg6 : memref<79x128xi32, #tpu.memory_space<vmem>>) target_semaphore(%run_scoped3A : memref<!tpu.dma_semaphore, #tpu.memory_space<semaphore_mem>>)
      %dma_wait3A = arith.constant 0 : i32
      %dma_wait3A_47 = arith.constant 0 : i32
      %dma_wait3A_48 = tpu.memref_slice %arg3[%add3A, %dma_wait3A, %dma_wait3A_47] : memref<32x79x128xi32, #tpu.memory_space<hbm>> -> memref<1x79x128xi32, #tpu.memory_space<hbm>>
      %dma_wait3A_49 = tpu.memref_squeeze %dma_wait3A_48 : memref<1x79x128xi32, #tpu.memory_space<hbm>> -> memref<79x128xi32, #tpu.memory_space<hbm>>
      %dma_wait3A_50 = arith.constant 0 : i32
      %dma_wait3A_51 = arith.constant 0 : i32
      %dma_wait3A_52 = tpu.memref_slice %arg3[%add3A, %dma_wait3A_50, %dma_wait3A_51] : memref<32x79x128xi32, #tpu.memory_space<hbm>> -> memref<1x79x128xi32, #tpu.memory_space<hbm>>
      %dma_wait3A_53 = tpu.memref_squeeze %dma_wait3A_52 : memref<1x79x128xi32, #tpu.memory_space<hbm>> -> memref<79x128xi32, #tpu.memory_space<hbm>>
      tpu.wait_dma2 semaphore(%run_scoped3A : memref<!tpu.dma_semaphore, #tpu.memory_space<semaphore_mem>>) src(%dma_wait3A_53 : memref<79x128xi32, #tpu.memory_space<hbm>>) dst(%arg6 : memref<79x128xi32, #tpu.memory_space<vmem>>)
      tpu.yield
    }) : () -> ()
    "tpu.region"() ({
      %run_scoped3A = tpu.sem_alloc : memref<!tpu.dma_semaphore, #tpu.memory_space<semaphore_mem>>
      %dma_start3A = arith.constant 0 : i32
      %dma_start3A_40 = arith.constant 0 : i32
      %dma_start3A_41 = tpu.memref_slice %arg4[%add3A, %dma_start3A, %dma_start3A_40] : memref<32x79x128xi32, #tpu.memory_space<hbm>> -> memref<1x79x128xi32, #tpu.memory_space<hbm>>
      %dma_start3A_42 = tpu.memref_squeeze %dma_start3A_41 : memref<1x79x128xi32, #tpu.memory_space<hbm>> -> memref<79x128xi32, #tpu.memory_space<hbm>>
      %dma_start3A_43 = arith.constant 0 : i32
      %dma_start3A_44 = arith.constant 0 : i32
      %dma_start3A_45 = tpu.memref_slice %arg4[%add3A, %dma_start3A_43, %dma_start3A_44] : memref<32x79x128xi32, #tpu.memory_space<hbm>> -> memref<1x79x128xi32, #tpu.memory_space<hbm>>
      %dma_start3A_46 = tpu.memref_squeeze %dma_start3A_45 : memref<1x79x128xi32, #tpu.memory_space<hbm>> -> memref<79x128xi32, #tpu.memory_space<hbm>>
      tpu.enqueue_dma source(%dma_start3A_46 : memref<79x128xi32, #tpu.memory_space<hbm>>) target(%arg7 : memref<79x128xi32, #tpu.memory_space<vmem>>) target_semaphore(%run_scoped3A : memref<!tpu.dma_semaphore, #tpu.memory_space<semaphore_mem>>)
      %dma_wait3A = arith.constant 0 : i32
      %dma_wait3A_47 = arith.constant 0 : i32
      %dma_wait3A_48 = tpu.memref_slice %arg4[%add3A, %dma_wait3A, %dma_wait3A_47] : memref<32x79x128xi32, #tpu.memory_space<hbm>> -> memref<1x79x128xi32, #tpu.memory_space<hbm>>
      %dma_wait3A_49 = tpu.memref_squeeze %dma_wait3A_48 : memref<1x79x128xi32, #tpu.memory_space<hbm>> -> memref<79x128xi32, #tpu.memory_space<hbm>>
      %dma_wait3A_50 = arith.constant 0 : i32
      %dma_wait3A_51 = arith.constant 0 : i32
      %dma_wait3A_52 = tpu.memref_slice %arg4[%add3A, %dma_wait3A_50, %dma_wait3A_51] : memref<32x79x128xi32, #tpu.memory_space<hbm>> -> memref<1x79x128xi32, #tpu.memory_space<hbm>>
      %dma_wait3A_53 = tpu.memref_squeeze %dma_wait3A_52 : memref<1x79x128xi32, #tpu.memory_space<hbm>> -> memref<79x128xi32, #tpu.memory_space<hbm>>
      tpu.wait_dma2 semaphore(%run_scoped3A : memref<!tpu.dma_semaphore, #tpu.memory_space<semaphore_mem>>) src(%dma_wait3A_53 : memref<79x128xi32, #tpu.memory_space<hbm>>) dst(%arg7 : memref<79x128xi32, #tpu.memory_space<vmem>>)
      tpu.yield
    }) : () -> ()
    %barrier3A = arith.constant 0 : index
    tpu.barrier barrier_id(%barrier3A)
    %scan3A_28 = arith.constant 0 : i32
    %scan3A_29 = arith.constant 0 : i32
    %scan3A_30 = arith.constant 79 : i32
    %scan3A_31 = arith.addi %scan3A_29, %scan3A_30 : i32
    %scan3A_32 = arith.constant 1 : i32
    %scan3A_33 = scf.for %scan3A_40 = %scan3A_29 to %scan3A_31 step %scan3A_32 iter_args(%scan3A_41 = %scan3A_28) -> (i32)  : i32 {
      %dma_start3A = arith.constant 0 : i32
      %dma_start3A_42 = tpu.memref_slice %arg6[%scan3A_40, %dma_start3A] : memref<79x128xi32, #tpu.memory_space<vmem>> -> memref<1x128xi32, #tpu.memory_space<vmem>>
      %dma_start3A_43 = tpu.memref_squeeze %dma_start3A_42 : memref<1x128xi32, #tpu.memory_space<vmem>> -> memref<128xi32, #tpu.memory_space<vmem>>
      %dma_start3A_44 = arith.constant 0 : i32
      %dma_start3A_45 = arith.constant 0 : i32
      %dma_start3A_46 = tpu.memref_slice %arg2[%dma_start3A_44, %dma_start3A_45] : memref<10240x64xf32, #tpu.memory_space<hbm>> -> memref<10240x64xf32, #tpu.memory_space<hbm>>
      tpu.enqueue_indirect_dma source(%dma_start3A_46 : memref<10240x64xf32, #tpu.memory_space<hbm>>) target(%arg8 : memref<128x64xf32, #tpu.memory_space<vmem>>) offsets(%dma_start3A_43 : memref<128xi32, #tpu.memory_space<vmem>>) semaphore(%arg10 : memref<!tpu.dma_semaphore, #tpu.memory_space<semaphore_mem>>)
      %dma_wait3A = arith.constant 0 : i32
      %dma_wait3A_47 = tpu.memref_slice %arg6[%scan3A_40, %dma_wait3A] : memref<79x128xi32, #tpu.memory_space<vmem>> -> memref<1x128xi32, #tpu.memory_space<vmem>>
      %dma_wait3A_48 = tpu.memref_squeeze %dma_wait3A_47 : memref<1x128xi32, #tpu.memory_space<vmem>> -> memref<128xi32, #tpu.memory_space<vmem>>
      %dma_wait3A_49 = arith.constant 0 : i32
      %dma_wait3A_50 = arith.constant 0 : i32
      %dma_wait3A_51 = tpu.memref_slice %arg2[%dma_wait3A_49, %dma_wait3A_50] : memref<10240x64xf32, #tpu.memory_space<hbm>> -> memref<10240x64xf32, #tpu.memory_space<hbm>>
      tpu.wait_indirect_dma semaphore(%arg10 : memref<!tpu.dma_semaphore, #tpu.memory_space<semaphore_mem>>) src(%dma_wait3A_51 : memref<10240x64xf32, #tpu.memory_space<hbm>>) dst(%arg8 : memref<128x64xf32, #tpu.memory_space<vmem>>)
      %dma_start3A_52 = arith.constant 0 : i32
      %dma_start3A_53 = tpu.memref_slice %arg7[%scan3A_40, %dma_start3A_52] : memref<79x128xi32, #tpu.memory_space<vmem>> -> memref<1x128xi32, #tpu.memory_space<vmem>>
      %dma_start3A_54 = tpu.memref_squeeze %dma_start3A_53 : memref<1x128xi32, #tpu.memory_space<vmem>> -> memref<128xi32, #tpu.memory_space<vmem>>
      %dma_start3A_55 = arith.constant 0 : i32
      %dma_start3A_56 = arith.constant 0 : i32
      %dma_start3A_57 = tpu.memref_slice %arg9[%dma_start3A_55, %dma_start3A_56] : memref<10240x64xf32, #tpu.memory_space<vmem_shared>> -> memref<10240x64xf32, #tpu.memory_space<vmem_shared>>
      tpu.enqueue_indirect_dma source(%arg8 : memref<128x64xf32, #tpu.memory_space<vmem>>) target(%dma_start3A_57 : memref<10240x64xf32, #tpu.memory_space<vmem_shared>>) offsets(%dma_start3A_54 : memref<128xi32, #tpu.memory_space<vmem>>) semaphore(%arg11 : memref<!tpu.dma_semaphore, #tpu.memory_space<semaphore_mem>>) {add = true}
      %dma_wait3A_58 = arith.constant 0 : i32
      %dma_wait3A_59 = tpu.memref_slice %arg7[%scan3A_40, %dma_wait3A_58] : memref<79x128xi32, #tpu.memory_space<vmem>> -> memref<1x128xi32, #tpu.memory_space<vmem>>
      %dma_wait3A_60 = tpu.memref_squeeze %dma_wait3A_59 : memref<1x128xi32, #tpu.memory_space<vmem>> -> memref<128xi32, #tpu.memory_space<vmem>>
      %dma_wait3A_61 = arith.constant 0 : i32
      %dma_wait3A_62 = arith.constant 0 : i32
      %dma_wait3A_63 = tpu.memref_slice %arg9[%dma_wait3A_61, %dma_wait3A_62] : memref<10240x64xf32, #tpu.memory_space<vmem_shared>> -> memref<10240x64xf32, #tpu.memory_space<vmem_shared>>
      tpu.wait_indirect_dma semaphore(%arg11 : memref<!tpu.dma_semaphore, #tpu.memory_space<semaphore_mem>>) src(%arg8 : memref<128x64xf32, #tpu.memory_space<vmem>>) dst(%dma_wait3A_63 : memref<10240x64xf32, #tpu.memory_space<vmem_shared>>)
      %scan3A_64 = arith.constant 0 : i32
      scf.yield %scan3A_64 : i32
    }
    %scan3A_34 = arith.constant 79 : i32
    %barrier3A_35 = arith.constant 0 : index
    tpu.barrier barrier_id(%barrier3A_35)
    %mul3A_36 = arith.constant 640 : i32
    %mul3A_37 = arith.muli %arg1, %mul3A_36 : i32
    %mul3A_38 = arith.constant 640 : i32
    %mul3A_39 = arith.muli %arg1, %mul3A_38 : i32
    "tpu.region"() ({
      %run_scoped3A = tpu.sem_alloc : memref<!tpu.dma_semaphore, #tpu.memory_space<semaphore_mem>>
      %dma_start3A = arith.constant 0 : i32
      %dma_start3A_40 = tpu.memref_slice %arg5[%arg0, %mul3A_39, %dma_start3A] : memref<2x10240x64xf32, #tpu.memory_space<hbm>> -> memref<1x640x64xf32, #tpu.memory_space<hbm>>
      %dma_start3A_41 = tpu.memref_squeeze %dma_start3A_40 : memref<1x640x64xf32, #tpu.memory_space<hbm>> -> memref<640x64xf32, #tpu.memory_space<hbm>>
      %dma_start3A_42 = arith.constant 0 : i32
      %dma_start3A_43 = tpu.memref_slice %arg9[%mul3A_37, %dma_start3A_42] : memref<10240x64xf32, #tpu.memory_space<vmem_shared>> -> memref<640x64xf32, #tpu.memory_space<vmem_shared>>
      tpu.enqueue_dma source(%dma_start3A_43 : memref<640x64xf32, #tpu.memory_space<vmem_shared>>) target(%dma_start3A_41 : memref<640x64xf32, #tpu.memory_space<hbm>>) target_semaphore(%run_scoped3A : memref<!tpu.dma_semaphore, #tpu.memory_space<semaphore_mem>>)
      %dma_wait3A = arith.constant 0 : i32
      %dma_wait3A_44 = tpu.memref_slice %arg5[%arg0, %mul3A_39, %dma_wait3A] : memref<2x10240x64xf32, #tpu.memory_space<hbm>> -> memref<1x640x64xf32, #tpu.memory_space<hbm>>
      %dma_wait3A_45 = tpu.memref_squeeze %dma_wait3A_44 : memref<1x640x64xf32, #tpu.memory_space<hbm>> -> memref<640x64xf32, #tpu.memory_space<hbm>>
      %dma_wait3A_46 = arith.constant 0 : i32
      %dma_wait3A_47 = tpu.memref_slice %arg9[%mul3A_37, %dma_wait3A_46] : memref<10240x64xf32, #tpu.memory_space<vmem_shared>> -> memref<640x64xf32, #tpu.memory_space<vmem_shared>>
      tpu.wait_dma2 semaphore(%run_scoped3A : memref<!tpu.dma_semaphore, #tpu.memory_space<semaphore_mem>>) src(%dma_wait3A_47 : memref<640x64xf32, #tpu.memory_space<vmem_shared>>) dst(%dma_wait3A_45 : memref<640x64xf32, #tpu.memory_space<hbm>>)
      tpu.yield
    }) : () -> ()
    return
  }
}

#map = affine_map<(d0, d1) -> (0, 0, 0)>
#map1 = affine_map<(d0, d1) -> (0, 0)>
module attributes {stable_mosaic.version = 14 : i64} {
  func.func @_deg_kernel(%arg0: i32, %arg1: i32, %arg2: memref<32x79x128xi32, #tpu.memory_space<hbm>>, %arg3: memref<2x10240xf32, #tpu.memory_space<hbm>>, %arg4: memref<79x128xi32, #tpu.memory_space<vmem>>, %arg5: memref<640xf32, #tpu.memory_space<vmem>>, %arg6: memref<10240xf32, #tpu.memory_space<vmem_shared>>, %arg7: memref<!tpu.dma_semaphore, #tpu.memory_space<semaphore_mem>>) attributes {dimension_semantics = [#tpu.dimension_semantics<core_parallel>, #tpu.dimension_semantics<subcore_parallel>], iteration_bounds = array<i64: 2, 16>, scalar_prefetch = 0 : i64, scratch_operands = 4 : i64, tpu.core_type = #tpu.core_type<sc_vector_subcore>, window_params = [{transform_indices = #map}, {transform_indices = #map1}]} {
    %mul3A = arith.constant 16 : i32
    %mul3A_0 = arith.muli %arg0, %mul3A : i32
    %add3A = arith.addi %mul3A_0, %arg1 : i32
    %broadcast_in_dim3A = arith.constant 0.000000e+00 : f32
    %broadcast_in_dim3A_1 = vector.broadcast %broadcast_in_dim3A : f32 to vector<16xf32>
    %scan3A = arith.constant 0 : i32
    %scan3A_2 = arith.constant 0 : i32
    %scan3A_3 = arith.constant 40 : i32
    %scan3A_4 = arith.addi %scan3A_2, %scan3A_3 : i32
    %scan3A_5 = arith.constant 1 : i32
    %scan3A_6 = scf.for %scan3A_31 = %scan3A_2 to %scan3A_4 step %scan3A_5 iter_args(%scan3A_32 = %scan3A) -> (i32)  : i32 {
      %mul3A_33 = arith.constant 16 : i32
      %mul3A_34 = arith.muli %scan3A_31, %mul3A_33 : i32
      %swap3A = arith.index_cast %mul3A_34 : i32 to index
      %swap3A_35 = tpu.vector_load %arg5[%swap3A] {strides = array<i32>} : memref<640xf32, #tpu.memory_space<vmem>>, vector<16xf32>,
      %swap3A_36 = vector.shape_cast %swap3A_35 : vector<16xf32> to vector<16xf32>
      %swap3A_37 = vector.shape_cast %broadcast_in_dim3A_1 : vector<16xf32> to vector<16xf32>
      tpu.vector_store %arg5[%swap3A], %swap3A_37 {strides = array<i32>} : memref<640xf32, #tpu.memory_space<vmem>>, vector<16xf32>,
      %scan3A_38 = arith.constant 0 : i32
      scf.yield %scan3A_38 : i32
    }
    %scan3A_7 = arith.constant 40 : i32
    %mul3A_8 = arith.constant 640 : i32
    %mul3A_9 = arith.muli %arg1, %mul3A_8 : i32
    "tpu.region"() ({
      %run_scoped3A = tpu.sem_alloc : memref<!tpu.dma_semaphore, #tpu.memory_space<semaphore_mem>>
      %dma_start3A = tpu.memref_slice %arg6[%mul3A_9] : memref<10240xf32, #tpu.memory_space<vmem_shared>> -> memref<640xf32, #tpu.memory_space<vmem_shared>>
      %dma_start3A_31 = tpu.memref_slice %arg6[%mul3A_9] : memref<10240xf32, #tpu.memory_space<vmem_shared>> -> memref<640xf32, #tpu.memory_space<vmem_shared>>
      tpu.enqueue_dma source(%arg5 : memref<640xf32, #tpu.memory_space<vmem>>) target(%dma_start3A_31 : memref<640xf32, #tpu.memory_space<vmem_shared>>) target_semaphore(%run_scoped3A : memref<!tpu.dma_semaphore, #tpu.memory_space<semaphore_mem>>)
      %dma_wait3A = tpu.memref_slice %arg6[%mul3A_9] : memref<10240xf32, #tpu.memory_space<vmem_shared>> -> memref<640xf32, #tpu.memory_space<vmem_shared>>
      %dma_wait3A_32 = tpu.memref_slice %arg6[%mul3A_9] : memref<10240xf32, #tpu.memory_space<vmem_shared>> -> memref<640xf32, #tpu.memory_space<vmem_shared>>
      tpu.wait_dma2 semaphore(%run_scoped3A : memref<!tpu.dma_semaphore, #tpu.memory_space<semaphore_mem>>) src(%arg5 : memref<640xf32, #tpu.memory_space<vmem>>) dst(%dma_wait3A_32 : memref<640xf32, #tpu.memory_space<vmem_shared>>)
      tpu.yield
    }) : () -> ()
    "tpu.region"() ({
      %run_scoped3A = tpu.sem_alloc : memref<!tpu.dma_semaphore, #tpu.memory_space<semaphore_mem>>
      %dma_start3A = arith.constant 0 : i32
      %dma_start3A_31 = arith.constant 0 : i32
      %dma_start3A_32 = tpu.memref_slice %arg2[%add3A, %dma_start3A, %dma_start3A_31] : memref<32x79x128xi32, #tpu.memory_space<hbm>> -> memref<1x79x128xi32, #tpu.memory_space<hbm>>
      %dma_start3A_33 = tpu.memref_squeeze %dma_start3A_32 : memref<1x79x128xi32, #tpu.memory_space<hbm>> -> memref<79x128xi32, #tpu.memory_space<hbm>>
      %dma_start3A_34 = arith.constant 0 : i32
      %dma_start3A_35 = arith.constant 0 : i32
      %dma_start3A_36 = tpu.memref_slice %arg2[%add3A, %dma_start3A_34, %dma_start3A_35] : memref<32x79x128xi32, #tpu.memory_space<hbm>> -> memref<1x79x128xi32, #tpu.memory_space<hbm>>
      %dma_start3A_37 = tpu.memref_squeeze %dma_start3A_36 : memref<1x79x128xi32, #tpu.memory_space<hbm>> -> memref<79x128xi32, #tpu.memory_space<hbm>>
      tpu.enqueue_dma source(%dma_start3A_37 : memref<79x128xi32, #tpu.memory_space<hbm>>) target(%arg4 : memref<79x128xi32, #tpu.memory_space<vmem>>) target_semaphore(%run_scoped3A : memref<!tpu.dma_semaphore, #tpu.memory_space<semaphore_mem>>)
      %dma_wait3A = arith.constant 0 : i32
      %dma_wait3A_38 = arith.constant 0 : i32
      %dma_wait3A_39 = tpu.memref_slice %arg2[%add3A, %dma_wait3A, %dma_wait3A_38] : memref<32x79x128xi32, #tpu.memory_space<hbm>> -> memref<1x79x128xi32, #tpu.memory_space<hbm>>
      %dma_wait3A_40 = tpu.memref_squeeze %dma_wait3A_39 : memref<1x79x128xi32, #tpu.memory_space<hbm>> -> memref<79x128xi32, #tpu.memory_space<hbm>>
      %dma_wait3A_41 = arith.constant 0 : i32
      %dma_wait3A_42 = arith.constant 0 : i32
      %dma_wait3A_43 = tpu.memref_slice %arg2[%add3A, %dma_wait3A_41, %dma_wait3A_42] : memref<32x79x128xi32, #tpu.memory_space<hbm>> -> memref<1x79x128xi32, #tpu.memory_space<hbm>>
      %dma_wait3A_44 = tpu.memref_squeeze %dma_wait3A_43 : memref<1x79x128xi32, #tpu.memory_space<hbm>> -> memref<79x128xi32, #tpu.memory_space<hbm>>
      tpu.wait_dma2 semaphore(%run_scoped3A : memref<!tpu.dma_semaphore, #tpu.memory_space<semaphore_mem>>) src(%dma_wait3A_44 : memref<79x128xi32, #tpu.memory_space<hbm>>) dst(%arg4 : memref<79x128xi32, #tpu.memory_space<vmem>>)
      tpu.yield
    }) : () -> ()
    %broadcast_in_dim3A_10 = arith.constant 1.000000e+00 : f32
    %broadcast_in_dim3A_11 = vector.broadcast %broadcast_in_dim3A_10 : f32 to vector<16xf32>
    %scan3A_12 = arith.constant 0 : i32
    %scan3A_13 = arith.constant 0 : i32
    %scan3A_14 = arith.constant 8 : i32
    %scan3A_15 = arith.addi %scan3A_13, %scan3A_14 : i32
    %scan3A_16 = arith.constant 1 : i32
    %scan3A_17 = scf.for %scan3A_31 = %scan3A_13 to %scan3A_15 step %scan3A_16 iter_args(%scan3A_32 = %scan3A_12) -> (i32)  : i32 {
      %mul3A_33 = arith.constant 16 : i32
      %mul3A_34 = arith.muli %scan3A_31, %mul3A_33 : i32
      %swap3A = arith.index_cast %mul3A_34 : i32 to index
      %swap3A_35 = tpu.vector_load %arg5[%swap3A] {strides = array<i32>} : memref<640xf32, #tpu.memory_space<vmem>>, vector<16xf32>,
      %swap3A_36 = vector.shape_cast %swap3A_35 : vector<16xf32> to vector<16xf32>
      %swap3A_37 = vector.shape_cast %broadcast_in_dim3A_11 : vector<16xf32> to vector<16xf32>
      tpu.vector_store %arg5[%swap3A], %swap3A_37 {strides = array<i32>} : memref<640xf32, #tpu.memory_space<vmem>>, vector<16xf32>,
      %scan3A_38 = arith.constant 0 : i32
      scf.yield %scan3A_38 : i32
    }
    %scan3A_18 = arith.constant 8 : i32
    %barrier3A = arith.constant 0 : index
    tpu.barrier barrier_id(%barrier3A)
    %scan3A_19 = arith.constant 0 : i32
    %scan3A_20 = arith.constant 0 : i32
    %scan3A_21 = arith.constant 79 : i32
    %scan3A_22 = arith.addi %scan3A_20, %scan3A_21 : i32
    %scan3A_23 = arith.constant 1 : i32
    %scan3A_24 = scf.for %scan3A_31 = %scan3A_20 to %scan3A_22 step %scan3A_23 iter_args(%scan3A_32 = %scan3A_19) -> (i32)  : i32 {
      %dma_start3A = arith.constant 0 : i32
      %dma_start3A_33 = tpu.memref_slice %arg5[%dma_start3A] : memref<640xf32, #tpu.memory_space<vmem>> -> memref<128xf32, #tpu.memory_space<vmem>>
      %dma_start3A_34 = arith.constant 0 : i32
      %dma_start3A_35 = tpu.memref_slice %arg4[%scan3A_31, %dma_start3A_34] : memref<79x128xi32, #tpu.memory_space<vmem>> -> memref<1x128xi32, #tpu.memory_space<vmem>>
      %dma_start3A_36 = tpu.memref_squeeze %dma_start3A_35 : memref<1x128xi32, #tpu.memory_space<vmem>> -> memref<128xi32, #tpu.memory_space<vmem>>
      %dma_start3A_37 = arith.constant 0 : i32
      %dma_start3A_38 = tpu.memref_slice %arg6[%dma_start3A_37] : memref<10240xf32, #tpu.memory_space<vmem_shared>> -> memref<10240xf32, #tpu.memory_space<vmem_shared>>
      tpu.enqueue_indirect_dma source(%dma_start3A_33 : memref<128xf32, #tpu.memory_space<vmem>>) target(%dma_start3A_38 : memref<10240xf32, #tpu.memory_space<vmem_shared>>) offsets(%dma_start3A_36 : memref<128xi32, #tpu.memory_space<vmem>>) semaphore(%arg7 : memref<!tpu.dma_semaphore, #tpu.memory_space<semaphore_mem>>) {add = true}
      %dma_wait3A = arith.constant 0 : i32
      %dma_wait3A_39 = tpu.memref_slice %arg5[%dma_wait3A] : memref<640xf32, #tpu.memory_space<vmem>> -> memref<128xf32, #tpu.memory_space<vmem>>
      %dma_wait3A_40 = arith.constant 0 : i32
      %dma_wait3A_41 = tpu.memref_slice %arg4[%scan3A_31, %dma_wait3A_40] : memref<79x128xi32, #tpu.memory_space<vmem>> -> memref<1x128xi32, #tpu.memory_space<vmem>>
      %dma_wait3A_42 = tpu.memref_squeeze %dma_wait3A_41 : memref<1x128xi32, #tpu.memory_space<vmem>> -> memref<128xi32, #tpu.memory_space<vmem>>
      %dma_wait3A_43 = arith.constant 0 : i32
      %dma_wait3A_44 = tpu.memref_slice %arg6[%dma_wait3A_43] : memref<10240xf32, #tpu.memory_space<vmem_shared>> -> memref<10240xf32, #tpu.memory_space<vmem_shared>>
      tpu.wait_indirect_dma semaphore(%arg7 : memref<!tpu.dma_semaphore, #tpu.memory_space<semaphore_mem>>) src(%dma_wait3A_39 : memref<128xf32, #tpu.memory_space<vmem>>) dst(%dma_wait3A_44 : memref<10240xf32, #tpu.memory_space<vmem_shared>>)
      %scan3A_45 = arith.constant 0 : i32
      scf.yield %scan3A_45 : i32
    }
    %scan3A_25 = arith.constant 79 : i32
    %barrier3A_26 = arith.constant 0 : index
    tpu.barrier barrier_id(%barrier3A_26)
    %mul3A_27 = arith.constant 640 : i32
    %mul3A_28 = arith.muli %arg1, %mul3A_27 : i32
    %mul3A_29 = arith.constant 640 : i32
    %mul3A_30 = arith.muli %arg1, %mul3A_29 : i32
    "tpu.region"() ({
      %run_scoped3A = tpu.sem_alloc : memref<!tpu.dma_semaphore, #tpu.memory_space<semaphore_mem>>
      %dma_start3A = tpu.memref_slice %arg3[%arg0, %mul3A_30] : memref<2x10240xf32, #tpu.memory_space<hbm>> -> memref<1x640xf32, #tpu.memory_space<hbm>>
      %dma_start3A_31 = tpu.memref_squeeze %dma_start3A : memref<1x640xf32, #tpu.memory_space<hbm>> -> memref<640xf32, #tpu.memory_space<hbm>>
      %dma_start3A_32 = tpu.memref_slice %arg6[%mul3A_28] : memref<10240xf32, #tpu.memory_space<vmem_shared>> -> memref<640xf32, #tpu.memory_space<vmem_shared>>
      tpu.enqueue_dma source(%dma_start3A_32 : memref<640xf32, #tpu.memory_space<vmem_shared>>) target(%dma_start3A_31 : memref<640xf32, #tpu.memory_space<hbm>>) target_semaphore(%run_scoped3A : memref<!tpu.dma_semaphore, #tpu.memory_space<semaphore_mem>>)
      %dma_wait3A = tpu.memref_slice %arg3[%arg0, %mul3A_30] : memref<2x10240xf32, #tpu.memory_space<hbm>> -> memref<1x640xf32, #tpu.memory_space<hbm>>
      %dma_wait3A_33 = tpu.memref_squeeze %dma_wait3A : memref<1x640xf32, #tpu.memory_space<hbm>> -> memref<640xf32, #tpu.memory_space<hbm>>
      %dma_wait3A_34 = tpu.memref_slice %arg6[%mul3A_28] : memref<10240xf32, #tpu.memory_space<vmem_shared>> -> memref<640xf32, #tpu.memory_space<vmem_shared>>
      tpu.wait_dma2 semaphore(%run_scoped3A : memref<!tpu.dma_semaphore, #tpu.memory_space<semaphore_mem>>) src(%dma_wait3A_34 : memref<640xf32, #tpu.memory_space<vmem_shared>>) dst(%dma_wait3A_33 : memref<640xf32, #tpu.memory_space<hbm>>)
      tpu.yield
    }) : () -> ()
    return
  }
}

#map = affine_map<(d0, d1) -> (0, 0)>
#map1 = affine_map<(d0, d1) -> (0, 0, 0)>
module attributes {stable_mosaic.version = 14 : i64} {
  func.func @_mp_kernel(%arg0: i32, %arg1: i32, %arg2: memref<10240x64xf32, #tpu.memory_space<hbm>>, %arg3: memref<32x79x128xi32, #tpu.memory_space<hbm>>, %arg4: memref<32x79x128xi32, #tpu.memory_space<hbm>>, %arg5: memref<2x10240x64xf32, #tpu.memory_space<hbm>>, %arg6: memref<79x128xi32, #tpu.memory_space<vmem>>, %arg7: memref<79x128xi32, #tpu.memory_space<vmem>>, %arg8: memref<128x64xf32, #tpu.memory_space<vmem>>, %arg9: memref<10240x64xf32, #tpu.memory_space<vmem_shared>>, %arg10: memref<!tpu.dma_semaphore, #tpu.memory_space<semaphore_mem>>, %arg11: memref<!tpu.dma_semaphore, #tpu.memory_space<semaphore_mem>>) attributes {dimension_semantics = [#tpu.dimension_semantics<core_parallel>, #tpu.dimension_semantics<subcore_parallel>], iteration_bounds = array<i64: 2, 16>, scalar_prefetch = 0 : i64, scratch_operands = 6 : i64, tpu.core_type = #tpu.core_type<sc_vector_subcore>, window_params = [{transform_indices = #map}, {transform_indices = #map1}, {transform_indices = #map1}, {transform_indices = #map1}]} {
    %mul3A = arith.constant 16 : i32
    %mul3A_0 = arith.muli %arg0, %mul3A : i32
    %add3A = arith.addi %mul3A_0, %arg1 : i32
    %broadcast_in_dim3A = arith.constant 0.000000e+00 : f32
    %broadcast_in_dim3A_1 = vector.broadcast %broadcast_in_dim3A : f32 to vector<16xf32>
    %scan3A = arith.constant 0 : i32
    %scan3A_2 = arith.constant 0 : i32
    %scan3A_3 = arith.constant 128 : i32
    %scan3A_4 = arith.addi %scan3A_2, %scan3A_3 : i32
    %scan3A_5 = arith.constant 1 : i32
    %scan3A_6 = scf.for %scan3A_40 = %scan3A_2 to %scan3A_4 step %scan3A_5 iter_args(%scan3A_41 = %scan3A) -> (i32)  : i32 {
      %swap3A = arith.index_cast %scan3A_40 : i32 to index
      %swap3A_42 = arith.constant 0 : index
      %swap3A_43 = tpu.vector_load %arg8[%swap3A, %swap3A_42] {strides = array<i32>} : memref<128x64xf32, #tpu.memory_space<vmem>>, vector<1x16xf32>,
      %swap3A_44 = vector.shape_cast %swap3A_43 : vector<1x16xf32> to vector<16xf32>
      %swap3A_45 = vector.shape_cast %broadcast_in_dim3A_1 : vector<16xf32> to vector<1x16xf32>
      tpu.vector_store %arg8[%swap3A, %swap3A_42], %swap3A_45 {strides = array<i32>} : memref<128x64xf32, #tpu.memory_space<vmem>>, vector<1x16xf32>,
      %swap3A_46 = arith.index_cast %scan3A_40 : i32 to index
      %swap3A_47 = arith.constant 16 : index
      %swap3A_48 = tpu.vector_load %arg8[%swap3A_46, %swap3A_47] {strides = array<i32>} : memref<128x64xf32, #tpu.memory_space<vmem>>, vector<1x16xf32>,
      %swap3A_49 = vector.shape_cast %swap3A_48 : vector<1x16xf32> to vector<16xf32>
      %swap3A_50 = vector.shape_cast %broadcast_in_dim3A_1 : vector<16xf32> to vector<1x16xf32>
      tpu.vector_store %arg8[%swap3A_46, %swap3A_47], %swap3A_50 {strides = array<i32>} : memref<128x64xf32, #tpu.memory_space<vmem>>, vector<1x16xf32>,
      %swap3A_51 = arith.index_cast %scan3A_40 : i32 to index
      %swap3A_52 = arith.constant 32 : index
      %swap3A_53 = tpu.vector_load %arg8[%swap3A_51, %swap3A_52] {strides = array<i32>} : memref<128x64xf32, #tpu.memory_space<vmem>>, vector<1x16xf32>,
      %swap3A_54 = vector.shape_cast %swap3A_53 : vector<1x16xf32> to vector<16xf32>
      %swap3A_55 = vector.shape_cast %broadcast_in_dim3A_1 : vector<16xf32> to vector<1x16xf32>
      tpu.vector_store %arg8[%swap3A_51, %swap3A_52], %swap3A_55 {strides = array<i32>} : memref<128x64xf32, #tpu.memory_space<vmem>>, vector<1x16xf32>,
      %swap3A_56 = arith.index_cast %scan3A_40 : i32 to index
      %swap3A_57 = arith.constant 48 : index
      %swap3A_58 = tpu.vector_load %arg8[%swap3A_56, %swap3A_57] {strides = array<i32>} : memref<128x64xf32, #tpu.memory_space<vmem>>, vector<1x16xf32>,
      %swap3A_59 = vector.shape_cast %swap3A_58 : vector<1x16xf32> to vector<16xf32>
      %swap3A_60 = vector.shape_cast %broadcast_in_dim3A_1 : vector<16xf32> to vector<1x16xf32>
      tpu.vector_store %arg8[%swap3A_56, %swap3A_57], %swap3A_60 {strides = array<i32>} : memref<128x64xf32, #tpu.memory_space<vmem>>, vector<1x16xf32>,
      %scan3A_61 = arith.constant 0 : i32
      scf.yield %scan3A_61 : i32
    }
    %scan3A_7 = arith.constant 128 : i32
    %mul3A_8 = arith.constant 640 : i32
    %mul3A_9 = arith.muli %arg1, %mul3A_8 : i32
    %add3A_10 = arith.constant 0 : i32
    %add3A_11 = arith.addi %mul3A_9, %add3A_10 : i32
    "tpu.region"() ({
      %run_scoped3A = tpu.sem_alloc : memref<!tpu.dma_semaphore, #tpu.memory_space<semaphore_mem>>
      %dma_start3A = arith.constant 0 : i32
      %dma_start3A_40 = tpu.memref_slice %arg9[%add3A_11, %dma_start3A] : memref<10240x64xf32, #tpu.memory_space<vmem_shared>> -> memref<128x64xf32, #tpu.memory_space<vmem_shared>>
      %dma_start3A_41 = arith.constant 0 : i32
      %dma_start3A_42 = tpu.memref_slice %arg9[%add3A_11, %dma_start3A_41] : memref<10240x64xf32, #tpu.memory_space<vmem_shared>> -> memref<128x64xf32, #tpu.memory_space<vmem_shared>>
      tpu.enqueue_dma source(%arg8 : memref<128x64xf32, #tpu.memory_space<vmem>>) target(%dma_start3A_42 : memref<128x64xf32, #tpu.memory_space<vmem_shared>>) target_semaphore(%run_scoped3A : memref<!tpu.dma_semaphore, #tpu.memory_space<semaphore_mem>>)
      %dma_wait3A = arith.constant 0 : i32
      %dma_wait3A_43 = tpu.memref_slice %arg9[%add3A_11, %dma_wait3A] : memref<10240x64xf32, #tpu.memory_space<vmem_shared>> -> memref<128x64xf32, #tpu.memory_space<vmem_shared>>
      %dma_wait3A_44 = arith.constant 0 : i32
      %dma_wait3A_45 = tpu.memref_slice %arg9[%add3A_11, %dma_wait3A_44] : memref<10240x64xf32, #tpu.memory_space<vmem_shared>> -> memref<128x64xf32, #tpu.memory_space<vmem_shared>>
      tpu.wait_dma2 semaphore(%run_scoped3A : memref<!tpu.dma_semaphore, #tpu.memory_space<semaphore_mem>>) src(%arg8 : memref<128x64xf32, #tpu.memory_space<vmem>>) dst(%dma_wait3A_45 : memref<128x64xf32, #tpu.memory_space<vmem_shared>>)
      tpu.yield
    }) : () -> ()
    %mul3A_12 = arith.constant 640 : i32
    %mul3A_13 = arith.muli %arg1, %mul3A_12 : i32
    %add3A_14 = arith.constant 128 : i32
    %add3A_15 = arith.addi %mul3A_13, %add3A_14 : i32
    "tpu.region"() ({
      %run_scoped3A = tpu.sem_alloc : memref<!tpu.dma_semaphore, #tpu.memory_space<semaphore_mem>>
      %dma_start3A = arith.constant 0 : i32
      %dma_start3A_40 = tpu.memref_slice %arg9[%add3A_15, %dma_start3A] : memref<10240x64xf32, #tpu.memory_space<vmem_shared>> -> memref<128x64xf32, #tpu.memory_space<vmem_shared>>
      %dma_start3A_41 = arith.constant 0 : i32
      %dma_start3A_42 = tpu.memref_slice %arg9[%add3A_15, %dma_start3A_41] : memref<10240x64xf32, #tpu.memory_space<vmem_shared>> -> memref<128x64xf32, #tpu.memory_space<vmem_shared>>
      tpu.enqueue_dma source(%arg8 : memref<128x64xf32, #tpu.memory_space<vmem>>) target(%dma_start3A_42 : memref<128x64xf32, #tpu.memory_space<vmem_shared>>) target_semaphore(%run_scoped3A : memref<!tpu.dma_semaphore, #tpu.memory_space<semaphore_mem>>)
      %dma_wait3A = arith.constant 0 : i32
      %dma_wait3A_43 = tpu.memref_slice %arg9[%add3A_15, %dma_wait3A] : memref<10240x64xf32, #tpu.memory_space<vmem_shared>> -> memref<128x64xf32, #tpu.memory_space<vmem_shared>>
      %dma_wait3A_44 = arith.constant 0 : i32
      %dma_wait3A_45 = tpu.memref_slice %arg9[%add3A_15, %dma_wait3A_44] : memref<10240x64xf32, #tpu.memory_space<vmem_shared>> -> memref<128x64xf32, #tpu.memory_space<vmem_shared>>
      tpu.wait_dma2 semaphore(%run_scoped3A : memref<!tpu.dma_semaphore, #tpu.memory_space<semaphore_mem>>) src(%arg8 : memref<128x64xf32, #tpu.memory_space<vmem>>) dst(%dma_wait3A_45 : memref<128x64xf32, #tpu.memory_space<vmem_shared>>)
      tpu.yield
    }) : () -> ()
    %mul3A_16 = arith.constant 640 : i32
    %mul3A_17 = arith.muli %arg1, %mul3A_16 : i32
    %add3A_18 = arith.constant 256 : i32
    %add3A_19 = arith.addi %mul3A_17, %add3A_18 : i32
    "tpu.region"() ({
      %run_scoped3A = tpu.sem_alloc : memref<!tpu.dma_semaphore, #tpu.memory_space<semaphore_mem>>
      %dma_start3A = arith.constant 0 : i32
      %dma_start3A_40 = tpu.memref_slice %arg9[%add3A_19, %dma_start3A] : memref<10240x64xf32, #tpu.memory_space<vmem_shared>> -> memref<128x64xf32, #tpu.memory_space<vmem_shared>>
      %dma_start3A_41 = arith.constant 0 : i32
      %dma_start3A_42 = tpu.memref_slice %arg9[%add3A_19, %dma_start3A_41] : memref<10240x64xf32, #tpu.memory_space<vmem_shared>> -> memref<128x64xf32, #tpu.memory_space<vmem_shared>>
      tpu.enqueue_dma source(%arg8 : memref<128x64xf32, #tpu.memory_space<vmem>>) target(%dma_start3A_42 : memref<128x64xf32, #tpu.memory_space<vmem_shared>>) target_semaphore(%run_scoped3A : memref<!tpu.dma_semaphore, #tpu.memory_space<semaphore_mem>>)
      %dma_wait3A = arith.constant 0 : i32
      %dma_wait3A_43 = tpu.memref_slice %arg9[%add3A_19, %dma_wait3A] : memref<10240x64xf32, #tpu.memory_space<vmem_shared>> -> memref<128x64xf32, #tpu.memory_space<vmem_shared>>
      %dma_wait3A_44 = arith.constant 0 : i32
      %dma_wait3A_45 = tpu.memref_slice %arg9[%add3A_19, %dma_wait3A_44] : memref<10240x64xf32, #tpu.memory_space<vmem_shared>> -> memref<128x64xf32, #tpu.memory_space<vmem_shared>>
      tpu.wait_dma2 semaphore(%run_scoped3A : memref<!tpu.dma_semaphore, #tpu.memory_space<semaphore_mem>>) src(%arg8 : memref<128x64xf32, #tpu.memory_space<vmem>>) dst(%dma_wait3A_45 : memref<128x64xf32, #tpu.memory_space<vmem_shared>>)
      tpu.yield
    }) : () -> ()
    %mul3A_20 = arith.constant 640 : i32
    %mul3A_21 = arith.muli %arg1, %mul3A_20 : i32
    %add3A_22 = arith.constant 384 : i32
    %add3A_23 = arith.addi %mul3A_21, %add3A_22 : i32
    "tpu.region"() ({
      %run_scoped3A = tpu.sem_alloc : memref<!tpu.dma_semaphore, #tpu.memory_space<semaphore_mem>>
      %dma_start3A = arith.constant 0 : i32
      %dma_start3A_40 = tpu.memref_slice %arg9[%add3A_23, %dma_start3A] : memref<10240x64xf32, #tpu.memory_space<vmem_shared>> -> memref<128x64xf32, #tpu.memory_space<vmem_shared>>
      %dma_start3A_41 = arith.constant 0 : i32
      %dma_start3A_42 = tpu.memref_slice %arg9[%add3A_23, %dma_start3A_41] : memref<10240x64xf32, #tpu.memory_space<vmem_shared>> -> memref<128x64xf32, #tpu.memory_space<vmem_shared>>
      tpu.enqueue_dma source(%arg8 : memref<128x64xf32, #tpu.memory_space<vmem>>) target(%dma_start3A_42 : memref<128x64xf32, #tpu.memory_space<vmem_shared>>) target_semaphore(%run_scoped3A : memref<!tpu.dma_semaphore, #tpu.memory_space<semaphore_mem>>)
      %dma_wait3A = arith.constant 0 : i32
      %dma_wait3A_43 = tpu.memref_slice %arg9[%add3A_23, %dma_wait3A] : memref<10240x64xf32, #tpu.memory_space<vmem_shared>> -> memref<128x64xf32, #tpu.memory_space<vmem_shared>>
      %dma_wait3A_44 = arith.constant 0 : i32
      %dma_wait3A_45 = tpu.memref_slice %arg9[%add3A_23, %dma_wait3A_44] : memref<10240x64xf32, #tpu.memory_space<vmem_shared>> -> memref<128x64xf32, #tpu.memory_space<vmem_shared>>
      tpu.wait_dma2 semaphore(%run_scoped3A : memref<!tpu.dma_semaphore, #tpu.memory_space<semaphore_mem>>) src(%arg8 : memref<128x64xf32, #tpu.memory_space<vmem>>) dst(%dma_wait3A_45 : memref<128x64xf32, #tpu.memory_space<vmem_shared>>)
      tpu.yield
    }) : () -> ()
    %mul3A_24 = arith.constant 640 : i32
    %mul3A_25 = arith.muli %arg1, %mul3A_24 : i32
    %add3A_26 = arith.constant 512 : i32
    %add3A_27 = arith.addi %mul3A_25, %add3A_26 : i32
    "tpu.region"() ({
      %run_scoped3A = tpu.sem_alloc : memref<!tpu.dma_semaphore, #tpu.memory_space<semaphore_mem>>
      %dma_start3A = arith.constant 0 : i32
      %dma_start3A_40 = tpu.memref_slice %arg9[%add3A_27, %dma_start3A] : memref<10240x64xf32, #tpu.memory_space<vmem_shared>> -> memref<128x64xf32, #tpu.memory_space<vmem_shared>>
      %dma_start3A_41 = arith.constant 0 : i32
      %dma_start3A_42 = tpu.memref_slice %arg9[%add3A_27, %dma_start3A_41] : memref<10240x64xf32, #tpu.memory_space<vmem_shared>> -> memref<128x64xf32, #tpu.memory_space<vmem_shared>>
      tpu.enqueue_dma source(%arg8 : memref<128x64xf32, #tpu.memory_space<vmem>>) target(%dma_start3A_42 : memref<128x64xf32, #tpu.memory_space<vmem_shared>>) target_semaphore(%run_scoped3A : memref<!tpu.dma_semaphore, #tpu.memory_space<semaphore_mem>>)
      %dma_wait3A = arith.constant 0 : i32
      %dma_wait3A_43 = tpu.memref_slice %arg9[%add3A_27, %dma_wait3A] : memref<10240x64xf32, #tpu.memory_space<vmem_shared>> -> memref<128x64xf32, #tpu.memory_space<vmem_shared>>
      %dma_wait3A_44 = arith.constant 0 : i32
      %dma_wait3A_45 = tpu.memref_slice %arg9[%add3A_27, %dma_wait3A_44] : memref<10240x64xf32, #tpu.memory_space<vmem_shared>> -> memref<128x64xf32, #tpu.memory_space<vmem_shared>>
      tpu.wait_dma2 semaphore(%run_scoped3A : memref<!tpu.dma_semaphore, #tpu.memory_space<semaphore_mem>>) src(%arg8 : memref<128x64xf32, #tpu.memory_space<vmem>>) dst(%dma_wait3A_45 : memref<128x64xf32, #tpu.memory_space<vmem_shared>>)
      tpu.yield
    }) : () -> ()
    "tpu.region"() ({
      %run_scoped3A = tpu.sem_alloc : memref<!tpu.dma_semaphore, #tpu.memory_space<semaphore_mem>>
      %dma_start3A = arith.constant 0 : i32
      %dma_start3A_40 = arith.constant 0 : i32
      %dma_start3A_41 = tpu.memref_slice %arg3[%add3A, %dma_start3A, %dma_start3A_40] : memref<32x79x128xi32, #tpu.memory_space<hbm>> -> memref<1x79x128xi32, #tpu.memory_space<hbm>>
      %dma_start3A_42 = tpu.memref_squeeze %dma_start3A_41 : memref<1x79x128xi32, #tpu.memory_space<hbm>> -> memref<79x128xi32, #tpu.memory_space<hbm>>
      %dma_start3A_43 = arith.constant 0 : i32
      %dma_start3A_44 = arith.constant 0 : i32
      %dma_start3A_45 = tpu.memref_slice %arg3[%add3A, %dma_start3A_43, %dma_start3A_44] : memref<32x79x128xi32, #tpu.memory_space<hbm>> -> memref<1x79x128xi32, #tpu.memory_space<hbm>>
      %dma_start3A_46 = tpu.memref_squeeze %dma_start3A_45 : memref<1x79x128xi32, #tpu.memory_space<hbm>> -> memref<79x128xi32, #tpu.memory_space<hbm>>
      tpu.enqueue_dma source(%dma_start3A_46 : memref<79x128xi32, #tpu.memory_space<hbm>>) target(%arg6 : memref<79x128xi32, #tpu.memory_space<vmem>>) target_semaphore(%run_scoped3A : memref<!tpu.dma_semaphore, #tpu.memory_space<semaphore_mem>>)
      %dma_wait3A = arith.constant 0 : i32
      %dma_wait3A_47 = arith.constant 0 : i32
      %dma_wait3A_48 = tpu.memref_slice %arg3[%add3A, %dma_wait3A, %dma_wait3A_47] : memref<32x79x128xi32, #tpu.memory_space<hbm>> -> memref<1x79x128xi32, #tpu.memory_space<hbm>>
      %dma_wait3A_49 = tpu.memref_squeeze %dma_wait3A_48 : memref<1x79x128xi32, #tpu.memory_space<hbm>> -> memref<79x128xi32, #tpu.memory_space<hbm>>
      %dma_wait3A_50 = arith.constant 0 : i32
      %dma_wait3A_51 = arith.constant 0 : i32
      %dma_wait3A_52 = tpu.memref_slice %arg3[%add3A, %dma_wait3A_50, %dma_wait3A_51] : memref<32x79x128xi32, #tpu.memory_space<hbm>> -> memref<1x79x128xi32, #tpu.memory_space<hbm>>
      %dma_wait3A_53 = tpu.memref_squeeze %dma_wait3A_52 : memref<1x79x128xi32, #tpu.memory_space<hbm>> -> memref<79x128xi32, #tpu.memory_space<hbm>>
      tpu.wait_dma2 semaphore(%run_scoped3A : memref<!tpu.dma_semaphore, #tpu.memory_space<semaphore_mem>>) src(%dma_wait3A_53 : memref<79x128xi32, #tpu.memory_space<hbm>>) dst(%arg6 : memref<79x128xi32, #tpu.memory_space<vmem>>)
      tpu.yield
    }) : () -> ()
    "tpu.region"() ({
      %run_scoped3A = tpu.sem_alloc : memref<!tpu.dma_semaphore, #tpu.memory_space<semaphore_mem>>
      %dma_start3A = arith.constant 0 : i32
      %dma_start3A_40 = arith.constant 0 : i32
      %dma_start3A_41 = tpu.memref_slice %arg4[%add3A, %dma_start3A, %dma_start3A_40] : memref<32x79x128xi32, #tpu.memory_space<hbm>> -> memref<1x79x128xi32, #tpu.memory_space<hbm>>
      %dma_start3A_42 = tpu.memref_squeeze %dma_start3A_41 : memref<1x79x128xi32, #tpu.memory_space<hbm>> -> memref<79x128xi32, #tpu.memory_space<hbm>>
      %dma_start3A_43 = arith.constant 0 : i32
      %dma_start3A_44 = arith.constant 0 : i32
      %dma_start3A_45 = tpu.memref_slice %arg4[%add3A, %dma_start3A_43, %dma_start3A_44] : memref<32x79x128xi32, #tpu.memory_space<hbm>> -> memref<1x79x128xi32, #tpu.memory_space<hbm>>
      %dma_start3A_46 = tpu.memref_squeeze %dma_start3A_45 : memref<1x79x128xi32, #tpu.memory_space<hbm>> -> memref<79x128xi32, #tpu.memory_space<hbm>>
      tpu.enqueue_dma source(%dma_start3A_46 : memref<79x128xi32, #tpu.memory_space<hbm>>) target(%arg7 : memref<79x128xi32, #tpu.memory_space<vmem>>) target_semaphore(%run_scoped3A : memref<!tpu.dma_semaphore, #tpu.memory_space<semaphore_mem>>)
      %dma_wait3A = arith.constant 0 : i32
      %dma_wait3A_47 = arith.constant 0 : i32
      %dma_wait3A_48 = tpu.memref_slice %arg4[%add3A, %dma_wait3A, %dma_wait3A_47] : memref<32x79x128xi32, #tpu.memory_space<hbm>> -> memref<1x79x128xi32, #tpu.memory_space<hbm>>
      %dma_wait3A_49 = tpu.memref_squeeze %dma_wait3A_48 : memref<1x79x128xi32, #tpu.memory_space<hbm>> -> memref<79x128xi32, #tpu.memory_space<hbm>>
      %dma_wait3A_50 = arith.constant 0 : i32
      %dma_wait3A_51 = arith.constant 0 : i32
      %dma_wait3A_52 = tpu.memref_slice %arg4[%add3A, %dma_wait3A_50, %dma_wait3A_51] : memref<32x79x128xi32, #tpu.memory_space<hbm>> -> memref<1x79x128xi32, #tpu.memory_space<hbm>>
      %dma_wait3A_53 = tpu.memref_squeeze %dma_wait3A_52 : memref<1x79x128xi32, #tpu.memory_space<hbm>> -> memref<79x128xi32, #tpu.memory_space<hbm>>
      tpu.wait_dma2 semaphore(%run_scoped3A : memref<!tpu.dma_semaphore, #tpu.memory_space<semaphore_mem>>) src(%dma_wait3A_53 : memref<79x128xi32, #tpu.memory_space<hbm>>) dst(%arg7 : memref<79x128xi32, #tpu.memory_space<vmem>>)
      tpu.yield
    }) : () -> ()
    %barrier3A = arith.constant 0 : index
    tpu.barrier barrier_id(%barrier3A)
    %scan3A_28 = arith.constant 0 : i32
    %scan3A_29 = arith.constant 0 : i32
    %scan3A_30 = arith.constant 79 : i32
    %scan3A_31 = arith.addi %scan3A_29, %scan3A_30 : i32
    %scan3A_32 = arith.constant 1 : i32
    %scan3A_33 = scf.for %scan3A_40 = %scan3A_29 to %scan3A_31 step %scan3A_32 iter_args(%scan3A_41 = %scan3A_28) -> (i32)  : i32 {
      %dma_start3A = arith.constant 0 : i32
      %dma_start3A_42 = tpu.memref_slice %arg6[%scan3A_40, %dma_start3A] : memref<79x128xi32, #tpu.memory_space<vmem>> -> memref<1x128xi32, #tpu.memory_space<vmem>>
      %dma_start3A_43 = tpu.memref_squeeze %dma_start3A_42 : memref<1x128xi32, #tpu.memory_space<vmem>> -> memref<128xi32, #tpu.memory_space<vmem>>
      %dma_start3A_44 = arith.constant 0 : i32
      %dma_start3A_45 = arith.constant 0 : i32
      %dma_start3A_46 = tpu.memref_slice %arg2[%dma_start3A_44, %dma_start3A_45] : memref<10240x64xf32, #tpu.memory_space<hbm>> -> memref<10240x64xf32, #tpu.memory_space<hbm>>
      tpu.enqueue_indirect_dma source(%dma_start3A_46 : memref<10240x64xf32, #tpu.memory_space<hbm>>) target(%arg8 : memref<128x64xf32, #tpu.memory_space<vmem>>) offsets(%dma_start3A_43 : memref<128xi32, #tpu.memory_space<vmem>>) semaphore(%arg10 : memref<!tpu.dma_semaphore, #tpu.memory_space<semaphore_mem>>)
      %dma_wait3A = arith.constant 0 : i32
      %dma_wait3A_47 = tpu.memref_slice %arg6[%scan3A_40, %dma_wait3A] : memref<79x128xi32, #tpu.memory_space<vmem>> -> memref<1x128xi32, #tpu.memory_space<vmem>>
      %dma_wait3A_48 = tpu.memref_squeeze %dma_wait3A_47 : memref<1x128xi32, #tpu.memory_space<vmem>> -> memref<128xi32, #tpu.memory_space<vmem>>
      %dma_wait3A_49 = arith.constant 0 : i32
      %dma_wait3A_50 = arith.constant 0 : i32
      %dma_wait3A_51 = tpu.memref_slice %arg2[%dma_wait3A_49, %dma_wait3A_50] : memref<10240x64xf32, #tpu.memory_space<hbm>> -> memref<10240x64xf32, #tpu.memory_space<hbm>>
      tpu.wait_indirect_dma semaphore(%arg10 : memref<!tpu.dma_semaphore, #tpu.memory_space<semaphore_mem>>) src(%dma_wait3A_51 : memref<10240x64xf32, #tpu.memory_space<hbm>>) dst(%arg8 : memref<128x64xf32, #tpu.memory_space<vmem>>)
      %dma_start3A_52 = arith.constant 0 : i32
      %dma_start3A_53 = tpu.memref_slice %arg7[%scan3A_40, %dma_start3A_52] : memref<79x128xi32, #tpu.memory_space<vmem>> -> memref<1x128xi32, #tpu.memory_space<vmem>>
      %dma_start3A_54 = tpu.memref_squeeze %dma_start3A_53 : memref<1x128xi32, #tpu.memory_space<vmem>> -> memref<128xi32, #tpu.memory_space<vmem>>
      %dma_start3A_55 = arith.constant 0 : i32
      %dma_start3A_56 = arith.constant 0 : i32
      %dma_start3A_57 = tpu.memref_slice %arg9[%dma_start3A_55, %dma_start3A_56] : memref<10240x64xf32, #tpu.memory_space<vmem_shared>> -> memref<10240x64xf32, #tpu.memory_space<vmem_shared>>
      tpu.enqueue_indirect_dma source(%arg8 : memref<128x64xf32, #tpu.memory_space<vmem>>) target(%dma_start3A_57 : memref<10240x64xf32, #tpu.memory_space<vmem_shared>>) offsets(%dma_start3A_54 : memref<128xi32, #tpu.memory_space<vmem>>) semaphore(%arg11 : memref<!tpu.dma_semaphore, #tpu.memory_space<semaphore_mem>>) {add = true}
      %dma_wait3A_58 = arith.constant 0 : i32
      %dma_wait3A_59 = tpu.memref_slice %arg7[%scan3A_40, %dma_wait3A_58] : memref<79x128xi32, #tpu.memory_space<vmem>> -> memref<1x128xi32, #tpu.memory_space<vmem>>
      %dma_wait3A_60 = tpu.memref_squeeze %dma_wait3A_59 : memref<1x128xi32, #tpu.memory_space<vmem>> -> memref<128xi32, #tpu.memory_space<vmem>>
      %dma_wait3A_61 = arith.constant 0 : i32
      %dma_wait3A_62 = arith.constant 0 : i32
      %dma_wait3A_63 = tpu.memref_slice %arg9[%dma_wait3A_61, %dma_wait3A_62] : memref<10240x64xf32, #tpu.memory_space<vmem_shared>> -> memref<10240x64xf32, #tpu.memory_space<vmem_shared>>
      tpu.wait_indirect_dma semaphore(%arg11 : memref<!tpu.dma_semaphore, #tpu.memory_space<semaphore_mem>>) src(%arg8 : memref<128x64xf32, #tpu.memory_space<vmem>>) dst(%dma_wait3A_63 : memref<10240x64xf32, #tpu.memory_space<vmem_shared>>)
      %scan3A_64 = arith.constant 0 : i32
      scf.yield %scan3A_64 : i32
    }
    %scan3A_34 = arith.constant 79 : i32
    %barrier3A_35 = arith.constant 0 : index
    tpu.barrier barrier_id(%barrier3A_35)
    %mul3A_36 = arith.constant 640 : i32
    %mul3A_37 = arith.muli %arg1, %mul3A_36 : i32
    %mul3A_38 = arith.constant 640 : i32
    %mul3A_39 = arith.muli %arg1, %mul3A_38 : i32
    "tpu.region"() ({
      %run_scoped3A = tpu.sem_alloc : memref<!tpu.dma_semaphore, #tpu.memory_space<semaphore_mem>>
      %dma_start3A = arith.constant 0 : i32
      %dma_start3A_40 = tpu.memref_slice %arg5[%arg0, %mul3A_39, %dma_start3A] : memref<2x10240x64xf32, #tpu.memory_space<hbm>> -> memref<1x640x64xf32, #tpu.memory_space<hbm>>
      %dma_start3A_41 = tpu.memref_squeeze %dma_start3A_40 : memref<1x640x64xf32, #tpu.memory_space<hbm>> -> memref<640x64xf32, #tpu.memory_space<hbm>>
      %dma_start3A_42 = arith.constant 0 : i32
      %dma_start3A_43 = tpu.memref_slice %arg9[%mul3A_37, %dma_start3A_42] : memref<10240x64xf32, #tpu.memory_space<vmem_shared>> -> memref<640x64xf32, #tpu.memory_space<vmem_shared>>
      tpu.enqueue_dma source(%dma_start3A_43 : memref<640x64xf32, #tpu.memory_space<vmem_shared>>) target(%dma_start3A_41 : memref<640x64xf32, #tpu.memory_space<hbm>>) target_semaphore(%run_scoped3A : memref<!tpu.dma_semaphore, #tpu.memory_space<semaphore_mem>>)
      %dma_wait3A = arith.constant 0 : i32
      %dma_wait3A_44 = tpu.memref_slice %arg5[%arg0, %mul3A_39, %dma_wait3A] : memref<2x10240x64xf32, #tpu.memory_space<hbm>> -> memref<1x640x64xf32, #tpu.memory_space<hbm>>
      %dma_wait3A_45 = tpu.memref_squeeze %dma_wait3A_44 : memref<1x640x64xf32, #tpu.memory_space<hbm>> -> memref<640x64xf32, #tpu.memory_space<hbm>>
      %dma_wait3A_46 = arith.constant 0 : i32
      %dma_wait3A_47 = tpu.memref_slice %arg9[%mul3A_37, %dma_wait3A_46] : memref<10240x64xf32, #tpu.memory_space<vmem_shared>> -> memref<640x64xf32, #tpu.memory_space<vmem_shared>>
      tpu.wait_dma2 semaphore(%run_scoped3A : memref<!tpu.dma_semaphore, #tpu.memory_space<semaphore_mem>>) src(%dma_wait3A_47 : memref<640x64xf32, #tpu.memory_space<vmem_shared>>) dst(%dma_wait3A_45 : memref<640x64xf32, #tpu.memory_space<hbm>>)
      tpu.yield
    }) : () -> ()
    return
  }
}

#map = affine_map<(d0, d1) -> (0, 0)>
#map1 = affine_map<(d0, d1) -> (0, 0, 0)>
module attributes {stable_mosaic.version = 14 : i64} {
  func.func @_mp_kernel(%arg0: i32, %arg1: i32, %arg2: memref<10240x64xf32, #tpu.memory_space<hbm>>, %arg3: memref<32x79x128xi32, #tpu.memory_space<hbm>>, %arg4: memref<32x79x128xi32, #tpu.memory_space<hbm>>, %arg5: memref<2x10240x64xf32, #tpu.memory_space<hbm>>, %arg6: memref<79x128xi32, #tpu.memory_space<vmem>>, %arg7: memref<79x128xi32, #tpu.memory_space<vmem>>, %arg8: memref<128x64xf32, #tpu.memory_space<vmem>>, %arg9: memref<10240x64xf32, #tpu.memory_space<vmem_shared>>, %arg10: memref<!tpu.dma_semaphore, #tpu.memory_space<semaphore_mem>>, %arg11: memref<!tpu.dma_semaphore, #tpu.memory_space<semaphore_mem>>) attributes {dimension_semantics = [#tpu.dimension_semantics<core_parallel>, #tpu.dimension_semantics<subcore_parallel>], iteration_bounds = array<i64: 2, 16>, scalar_prefetch = 0 : i64, scratch_operands = 6 : i64, tpu.core_type = #tpu.core_type<sc_vector_subcore>, window_params = [{transform_indices = #map}, {transform_indices = #map1}, {transform_indices = #map1}, {transform_indices = #map1}]} {
    %mul3A = arith.constant 16 : i32
    %mul3A_0 = arith.muli %arg0, %mul3A : i32
    %add3A = arith.addi %mul3A_0, %arg1 : i32
    %broadcast_in_dim3A = arith.constant 0.000000e+00 : f32
    %broadcast_in_dim3A_1 = vector.broadcast %broadcast_in_dim3A : f32 to vector<16xf32>
    %scan3A = arith.constant 0 : i32
    %scan3A_2 = arith.constant 0 : i32
    %scan3A_3 = arith.constant 128 : i32
    %scan3A_4 = arith.addi %scan3A_2, %scan3A_3 : i32
    %scan3A_5 = arith.constant 1 : i32
    %scan3A_6 = scf.for %scan3A_40 = %scan3A_2 to %scan3A_4 step %scan3A_5 iter_args(%scan3A_41 = %scan3A) -> (i32)  : i32 {
      %swap3A = arith.index_cast %scan3A_40 : i32 to index
      %swap3A_42 = arith.constant 0 : index
      %swap3A_43 = tpu.vector_load %arg8[%swap3A, %swap3A_42] {strides = array<i32>} : memref<128x64xf32, #tpu.memory_space<vmem>>, vector<1x16xf32>,
      %swap3A_44 = vector.shape_cast %swap3A_43 : vector<1x16xf32> to vector<16xf32>
      %swap3A_45 = vector.shape_cast %broadcast_in_dim3A_1 : vector<16xf32> to vector<1x16xf32>
      tpu.vector_store %arg8[%swap3A, %swap3A_42], %swap3A_45 {strides = array<i32>} : memref<128x64xf32, #tpu.memory_space<vmem>>, vector<1x16xf32>,
      %swap3A_46 = arith.index_cast %scan3A_40 : i32 to index
      %swap3A_47 = arith.constant 16 : index
      %swap3A_48 = tpu.vector_load %arg8[%swap3A_46, %swap3A_47] {strides = array<i32>} : memref<128x64xf32, #tpu.memory_space<vmem>>, vector<1x16xf32>,
      %swap3A_49 = vector.shape_cast %swap3A_48 : vector<1x16xf32> to vector<16xf32>
      %swap3A_50 = vector.shape_cast %broadcast_in_dim3A_1 : vector<16xf32> to vector<1x16xf32>
      tpu.vector_store %arg8[%swap3A_46, %swap3A_47], %swap3A_50 {strides = array<i32>} : memref<128x64xf32, #tpu.memory_space<vmem>>, vector<1x16xf32>,
      %swap3A_51 = arith.index_cast %scan3A_40 : i32 to index
      %swap3A_52 = arith.constant 32 : index
      %swap3A_53 = tpu.vector_load %arg8[%swap3A_51, %swap3A_52] {strides = array<i32>} : memref<128x64xf32, #tpu.memory_space<vmem>>, vector<1x16xf32>,
      %swap3A_54 = vector.shape_cast %swap3A_53 : vector<1x16xf32> to vector<16xf32>
      %swap3A_55 = vector.shape_cast %broadcast_in_dim3A_1 : vector<16xf32> to vector<1x16xf32>
      tpu.vector_store %arg8[%swap3A_51, %swap3A_52], %swap3A_55 {strides = array<i32>} : memref<128x64xf32, #tpu.memory_space<vmem>>, vector<1x16xf32>,
      %swap3A_56 = arith.index_cast %scan3A_40 : i32 to index
      %swap3A_57 = arith.constant 48 : index
      %swap3A_58 = tpu.vector_load %arg8[%swap3A_56, %swap3A_57] {strides = array<i32>} : memref<128x64xf32, #tpu.memory_space<vmem>>, vector<1x16xf32>,
      %swap3A_59 = vector.shape_cast %swap3A_58 : vector<1x16xf32> to vector<16xf32>
      %swap3A_60 = vector.shape_cast %broadcast_in_dim3A_1 : vector<16xf32> to vector<1x16xf32>
      tpu.vector_store %arg8[%swap3A_56, %swap3A_57], %swap3A_60 {strides = array<i32>} : memref<128x64xf32, #tpu.memory_space<vmem>>, vector<1x16xf32>,
      %scan3A_61 = arith.constant 0 : i32
      scf.yield %scan3A_61 : i32
    }
    %scan3A_7 = arith.constant 128 : i32
    %mul3A_8 = arith.constant 640 : i32
    %mul3A_9 = arith.muli %arg1, %mul3A_8 : i32
    %add3A_10 = arith.constant 0 : i32
    %add3A_11 = arith.addi %mul3A_9, %add3A_10 : i32
    "tpu.region"() ({
      %run_scoped3A = tpu.sem_alloc : memref<!tpu.dma_semaphore, #tpu.memory_space<semaphore_mem>>
      %dma_start3A = arith.constant 0 : i32
      %dma_start3A_40 = tpu.memref_slice %arg9[%add3A_11, %dma_start3A] : memref<10240x64xf32, #tpu.memory_space<vmem_shared>> -> memref<128x64xf32, #tpu.memory_space<vmem_shared>>
      %dma_start3A_41 = arith.constant 0 : i32
      %dma_start3A_42 = tpu.memref_slice %arg9[%add3A_11, %dma_start3A_41] : memref<10240x64xf32, #tpu.memory_space<vmem_shared>> -> memref<128x64xf32, #tpu.memory_space<vmem_shared>>
      tpu.enqueue_dma source(%arg8 : memref<128x64xf32, #tpu.memory_space<vmem>>) target(%dma_start3A_42 : memref<128x64xf32, #tpu.memory_space<vmem_shared>>) target_semaphore(%run_scoped3A : memref<!tpu.dma_semaphore, #tpu.memory_space<semaphore_mem>>)
      %dma_wait3A = arith.constant 0 : i32
      %dma_wait3A_43 = tpu.memref_slice %arg9[%add3A_11, %dma_wait3A] : memref<10240x64xf32, #tpu.memory_space<vmem_shared>> -> memref<128x64xf32, #tpu.memory_space<vmem_shared>>
      %dma_wait3A_44 = arith.constant 0 : i32
      %dma_wait3A_45 = tpu.memref_slice %arg9[%add3A_11, %dma_wait3A_44] : memref<10240x64xf32, #tpu.memory_space<vmem_shared>> -> memref<128x64xf32, #tpu.memory_space<vmem_shared>>
      tpu.wait_dma2 semaphore(%run_scoped3A : memref<!tpu.dma_semaphore, #tpu.memory_space<semaphore_mem>>) src(%arg8 : memref<128x64xf32, #tpu.memory_space<vmem>>) dst(%dma_wait3A_45 : memref<128x64xf32, #tpu.memory_space<vmem_shared>>)
      tpu.yield
    }) : () -> ()
    %mul3A_12 = arith.constant 640 : i32
    %mul3A_13 = arith.muli %arg1, %mul3A_12 : i32
    %add3A_14 = arith.constant 128 : i32
    %add3A_15 = arith.addi %mul3A_13, %add3A_14 : i32
    "tpu.region"() ({
      %run_scoped3A = tpu.sem_alloc : memref<!tpu.dma_semaphore, #tpu.memory_space<semaphore_mem>>
      %dma_start3A = arith.constant 0 : i32
      %dma_start3A_40 = tpu.memref_slice %arg9[%add3A_15, %dma_start3A] : memref<10240x64xf32, #tpu.memory_space<vmem_shared>> -> memref<128x64xf32, #tpu.memory_space<vmem_shared>>
      %dma_start3A_41 = arith.constant 0 : i32
      %dma_start3A_42 = tpu.memref_slice %arg9[%add3A_15, %dma_start3A_41] : memref<10240x64xf32, #tpu.memory_space<vmem_shared>> -> memref<128x64xf32, #tpu.memory_space<vmem_shared>>
      tpu.enqueue_dma source(%arg8 : memref<128x64xf32, #tpu.memory_space<vmem>>) target(%dma_start3A_42 : memref<128x64xf32, #tpu.memory_space<vmem_shared>>) target_semaphore(%run_scoped3A : memref<!tpu.dma_semaphore, #tpu.memory_space<semaphore_mem>>)
      %dma_wait3A = arith.constant 0 : i32
      %dma_wait3A_43 = tpu.memref_slice %arg9[%add3A_15, %dma_wait3A] : memref<10240x64xf32, #tpu.memory_space<vmem_shared>> -> memref<128x64xf32, #tpu.memory_space<vmem_shared>>
      %dma_wait3A_44 = arith.constant 0 : i32
      %dma_wait3A_45 = tpu.memref_slice %arg9[%add3A_15, %dma_wait3A_44] : memref<10240x64xf32, #tpu.memory_space<vmem_shared>> -> memref<128x64xf32, #tpu.memory_space<vmem_shared>>
      tpu.wait_dma2 semaphore(%run_scoped3A : memref<!tpu.dma_semaphore, #tpu.memory_space<semaphore_mem>>) src(%arg8 : memref<128x64xf32, #tpu.memory_space<vmem>>) dst(%dma_wait3A_45 : memref<128x64xf32, #tpu.memory_space<vmem_shared>>)
      tpu.yield
    }) : () -> ()
    %mul3A_16 = arith.constant 640 : i32
    %mul3A_17 = arith.muli %arg1, %mul3A_16 : i32
    %add3A_18 = arith.constant 256 : i32
    %add3A_19 = arith.addi %mul3A_17, %add3A_18 : i32
    "tpu.region"() ({
      %run_scoped3A = tpu.sem_alloc : memref<!tpu.dma_semaphore, #tpu.memory_space<semaphore_mem>>
      %dma_start3A = arith.constant 0 : i32
      %dma_start3A_40 = tpu.memref_slice %arg9[%add3A_19, %dma_start3A] : memref<10240x64xf32, #tpu.memory_space<vmem_shared>> -> memref<128x64xf32, #tpu.memory_space<vmem_shared>>
      %dma_start3A_41 = arith.constant 0 : i32
      %dma_start3A_42 = tpu.memref_slice %arg9[%add3A_19, %dma_start3A_41] : memref<10240x64xf32, #tpu.memory_space<vmem_shared>> -> memref<128x64xf32, #tpu.memory_space<vmem_shared>>
      tpu.enqueue_dma source(%arg8 : memref<128x64xf32, #tpu.memory_space<vmem>>) target(%dma_start3A_42 : memref<128x64xf32, #tpu.memory_space<vmem_shared>>) target_semaphore(%run_scoped3A : memref<!tpu.dma_semaphore, #tpu.memory_space<semaphore_mem>>)
      %dma_wait3A = arith.constant 0 : i32
      %dma_wait3A_43 = tpu.memref_slice %arg9[%add3A_19, %dma_wait3A] : memref<10240x64xf32, #tpu.memory_space<vmem_shared>> -> memref<128x64xf32, #tpu.memory_space<vmem_shared>>
      %dma_wait3A_44 = arith.constant 0 : i32
      %dma_wait3A_45 = tpu.memref_slice %arg9[%add3A_19, %dma_wait3A_44] : memref<10240x64xf32, #tpu.memory_space<vmem_shared>> -> memref<128x64xf32, #tpu.memory_space<vmem_shared>>
      tpu.wait_dma2 semaphore(%run_scoped3A : memref<!tpu.dma_semaphore, #tpu.memory_space<semaphore_mem>>) src(%arg8 : memref<128x64xf32, #tpu.memory_space<vmem>>) dst(%dma_wait3A_45 : memref<128x64xf32, #tpu.memory_space<vmem_shared>>)
      tpu.yield
    }) : () -> ()
    %mul3A_20 = arith.constant 640 : i32
    %mul3A_21 = arith.muli %arg1, %mul3A_20 : i32
    %add3A_22 = arith.constant 384 : i32
    %add3A_23 = arith.addi %mul3A_21, %add3A_22 : i32
    "tpu.region"() ({
      %run_scoped3A = tpu.sem_alloc : memref<!tpu.dma_semaphore, #tpu.memory_space<semaphore_mem>>
      %dma_start3A = arith.constant 0 : i32
      %dma_start3A_40 = tpu.memref_slice %arg9[%add3A_23, %dma_start3A] : memref<10240x64xf32, #tpu.memory_space<vmem_shared>> -> memref<128x64xf32, #tpu.memory_space<vmem_shared>>
      %dma_start3A_41 = arith.constant 0 : i32
      %dma_start3A_42 = tpu.memref_slice %arg9[%add3A_23, %dma_start3A_41] : memref<10240x64xf32, #tpu.memory_space<vmem_shared>> -> memref<128x64xf32, #tpu.memory_space<vmem_shared>>
      tpu.enqueue_dma source(%arg8 : memref<128x64xf32, #tpu.memory_space<vmem>>) target(%dma_start3A_42 : memref<128x64xf32, #tpu.memory_space<vmem_shared>>) target_semaphore(%run_scoped3A : memref<!tpu.dma_semaphore, #tpu.memory_space<semaphore_mem>>)
      %dma_wait3A = arith.constant 0 : i32
      %dma_wait3A_43 = tpu.memref_slice %arg9[%add3A_23, %dma_wait3A] : memref<10240x64xf32, #tpu.memory_space<vmem_shared>> -> memref<128x64xf32, #tpu.memory_space<vmem_shared>>
      %dma_wait3A_44 = arith.constant 0 : i32
      %dma_wait3A_45 = tpu.memref_slice %arg9[%add3A_23, %dma_wait3A_44] : memref<10240x64xf32, #tpu.memory_space<vmem_shared>> -> memref<128x64xf32, #tpu.memory_space<vmem_shared>>
      tpu.wait_dma2 semaphore(%run_scoped3A : memref<!tpu.dma_semaphore, #tpu.memory_space<semaphore_mem>>) src(%arg8 : memref<128x64xf32, #tpu.memory_space<vmem>>) dst(%dma_wait3A_45 : memref<128x64xf32, #tpu.memory_space<vmem_shared>>)
      tpu.yield
    }) : () -> ()
    %mul3A_24 = arith.constant 640 : i32
    %mul3A_25 = arith.muli %arg1, %mul3A_24 : i32
    %add3A_26 = arith.constant 512 : i32
    %add3A_27 = arith.addi %mul3A_25, %add3A_26 : i32
    "tpu.region"() ({
      %run_scoped3A = tpu.sem_alloc : memref<!tpu.dma_semaphore, #tpu.memory_space<semaphore_mem>>
      %dma_start3A = arith.constant 0 : i32
      %dma_start3A_40 = tpu.memref_slice %arg9[%add3A_27, %dma_start3A] : memref<10240x64xf32, #tpu.memory_space<vmem_shared>> -> memref<128x64xf32, #tpu.memory_space<vmem_shared>>
      %dma_start3A_41 = arith.constant 0 : i32
      %dma_start3A_42 = tpu.memref_slice %arg9[%add3A_27, %dma_start3A_41] : memref<10240x64xf32, #tpu.memory_space<vmem_shared>> -> memref<128x64xf32, #tpu.memory_space<vmem_shared>>
      tpu.enqueue_dma source(%arg8 : memref<128x64xf32, #tpu.memory_space<vmem>>) target(%dma_start3A_42 : memref<128x64xf32, #tpu.memory_space<vmem_shared>>) target_semaphore(%run_scoped3A : memref<!tpu.dma_semaphore, #tpu.memory_space<semaphore_mem>>)
      %dma_wait3A = arith.constant 0 : i32
      %dma_wait3A_43 = tpu.memref_slice %arg9[%add3A_27, %dma_wait3A] : memref<10240x64xf32, #tpu.memory_space<vmem_shared>> -> memref<128x64xf32, #tpu.memory_space<vmem_shared>>
      %dma_wait3A_44 = arith.constant 0 : i32
      %dma_wait3A_45 = tpu.memref_slice %arg9[%add3A_27, %dma_wait3A_44] : memref<10240x64xf32, #tpu.memory_space<vmem_shared>> -> memref<128x64xf32, #tpu.memory_space<vmem_shared>>
      tpu.wait_dma2 semaphore(%run_scoped3A : memref<!tpu.dma_semaphore, #tpu.memory_space<semaphore_mem>>) src(%arg8 : memref<128x64xf32, #tpu.memory_space<vmem>>) dst(%dma_wait3A_45 : memref<128x64xf32, #tpu.memory_space<vmem_shared>>)
      tpu.yield
    }) : () -> ()
    "tpu.region"() ({
      %run_scoped3A = tpu.sem_alloc : memref<!tpu.dma_semaphore, #tpu.memory_space<semaphore_mem>>
      %dma_start3A = arith.constant 0 : i32
      %dma_start3A_40 = arith.constant 0 : i32
      %dma_start3A_41 = tpu.memref_slice %arg3[%add3A, %dma_start3A, %dma_start3A_40] : memref<32x79x128xi32, #tpu.memory_space<hbm>> -> memref<1x79x128xi32, #tpu.memory_space<hbm>>
      %dma_start3A_42 = tpu.memref_squeeze %dma_start3A_41 : memref<1x79x128xi32, #tpu.memory_space<hbm>> -> memref<79x128xi32, #tpu.memory_space<hbm>>
      %dma_start3A_43 = arith.constant 0 : i32
      %dma_start3A_44 = arith.constant 0 : i32
      %dma_start3A_45 = tpu.memref_slice %arg3[%add3A, %dma_start3A_43, %dma_start3A_44] : memref<32x79x128xi32, #tpu.memory_space<hbm>> -> memref<1x79x128xi32, #tpu.memory_space<hbm>>
      %dma_start3A_46 = tpu.memref_squeeze %dma_start3A_45 : memref<1x79x128xi32, #tpu.memory_space<hbm>> -> memref<79x128xi32, #tpu.memory_space<hbm>>
      tpu.enqueue_dma source(%dma_start3A_46 : memref<79x128xi32, #tpu.memory_space<hbm>>) target(%arg6 : memref<79x128xi32, #tpu.memory_space<vmem>>) target_semaphore(%run_scoped3A : memref<!tpu.dma_semaphore, #tpu.memory_space<semaphore_mem>>)
      %dma_wait3A = arith.constant 0 : i32
      %dma_wait3A_47 = arith.constant 0 : i32
      %dma_wait3A_48 = tpu.memref_slice %arg3[%add3A, %dma_wait3A, %dma_wait3A_47] : memref<32x79x128xi32, #tpu.memory_space<hbm>> -> memref<1x79x128xi32, #tpu.memory_space<hbm>>
      %dma_wait3A_49 = tpu.memref_squeeze %dma_wait3A_48 : memref<1x79x128xi32, #tpu.memory_space<hbm>> -> memref<79x128xi32, #tpu.memory_space<hbm>>
      %dma_wait3A_50 = arith.constant 0 : i32
      %dma_wait3A_51 = arith.constant 0 : i32
      %dma_wait3A_52 = tpu.memref_slice %arg3[%add3A, %dma_wait3A_50, %dma_wait3A_51] : memref<32x79x128xi32, #tpu.memory_space<hbm>> -> memref<1x79x128xi32, #tpu.memory_space<hbm>>
      %dma_wait3A_53 = tpu.memref_squeeze %dma_wait3A_52 : memref<1x79x128xi32, #tpu.memory_space<hbm>> -> memref<79x128xi32, #tpu.memory_space<hbm>>
      tpu.wait_dma2 semaphore(%run_scoped3A : memref<!tpu.dma_semaphore, #tpu.memory_space<semaphore_mem>>) src(%dma_wait3A_53 : memref<79x128xi32, #tpu.memory_space<hbm>>) dst(%arg6 : memref<79x128xi32, #tpu.memory_space<vmem>>)
      tpu.yield
    }) : () -> ()
    "tpu.region"() ({
      %run_scoped3A = tpu.sem_alloc : memref<!tpu.dma_semaphore, #tpu.memory_space<semaphore_mem>>
      %dma_start3A = arith.constant 0 : i32
      %dma_start3A_40 = arith.constant 0 : i32
      %dma_start3A_41 = tpu.memref_slice %arg4[%add3A, %dma_start3A, %dma_start3A_40] : memref<32x79x128xi32, #tpu.memory_space<hbm>> -> memref<1x79x128xi32, #tpu.memory_space<hbm>>
      %dma_start3A_42 = tpu.memref_squeeze %dma_start3A_41 : memref<1x79x128xi32, #tpu.memory_space<hbm>> -> memref<79x128xi32, #tpu.memory_space<hbm>>
      %dma_start3A_43 = arith.constant 0 : i32
      %dma_start3A_44 = arith.constant 0 : i32
      %dma_start3A_45 = tpu.memref_slice %arg4[%add3A, %dma_start3A_43, %dma_start3A_44] : memref<32x79x128xi32, #tpu.memory_space<hbm>> -> memref<1x79x128xi32, #tpu.memory_space<hbm>>
      %dma_start3A_46 = tpu.memref_squeeze %dma_start3A_45 : memref<1x79x128xi32, #tpu.memory_space<hbm>> -> memref<79x128xi32, #tpu.memory_space<hbm>>
      tpu.enqueue_dma source(%dma_start3A_46 : memref<79x128xi32, #tpu.memory_space<hbm>>) target(%arg7 : memref<79x128xi32, #tpu.memory_space<vmem>>) target_semaphore(%run_scoped3A : memref<!tpu.dma_semaphore, #tpu.memory_space<semaphore_mem>>)
      %dma_wait3A = arith.constant 0 : i32
      %dma_wait3A_47 = arith.constant 0 : i32
      %dma_wait3A_48 = tpu.memref_slice %arg4[%add3A, %dma_wait3A, %dma_wait3A_47] : memref<32x79x128xi32, #tpu.memory_space<hbm>> -> memref<1x79x128xi32, #tpu.memory_space<hbm>>
      %dma_wait3A_49 = tpu.memref_squeeze %dma_wait3A_48 : memref<1x79x128xi32, #tpu.memory_space<hbm>> -> memref<79x128xi32, #tpu.memory_space<hbm>>
      %dma_wait3A_50 = arith.constant 0 : i32
      %dma_wait3A_51 = arith.constant 0 : i32
      %dma_wait3A_52 = tpu.memref_slice %arg4[%add3A, %dma_wait3A_50, %dma_wait3A_51] : memref<32x79x128xi32, #tpu.memory_space<hbm>> -> memref<1x79x128xi32, #tpu.memory_space<hbm>>
      %dma_wait3A_53 = tpu.memref_squeeze %dma_wait3A_52 : memref<1x79x128xi32, #tpu.memory_space<hbm>> -> memref<79x128xi32, #tpu.memory_space<hbm>>
      tpu.wait_dma2 semaphore(%run_scoped3A : memref<!tpu.dma_semaphore, #tpu.memory_space<semaphore_mem>>) src(%dma_wait3A_53 : memref<79x128xi32, #tpu.memory_space<hbm>>) dst(%arg7 : memref<79x128xi32, #tpu.memory_space<vmem>>)
      tpu.yield
    }) : () -> ()
    %barrier3A = arith.constant 0 : index
    tpu.barrier barrier_id(%barrier3A)
    %scan3A_28 = arith.constant 0 : i32
    %scan3A_29 = arith.constant 0 : i32
    %scan3A_30 = arith.constant 79 : i32
    %scan3A_31 = arith.addi %scan3A_29, %scan3A_30 : i32
    %scan3A_32 = arith.constant 1 : i32
    %scan3A_33 = scf.for %scan3A_40 = %scan3A_29 to %scan3A_31 step %scan3A_32 iter_args(%scan3A_41 = %scan3A_28) -> (i32)  : i32 {
      %dma_start3A = arith.constant 0 : i32
      %dma_start3A_42 = tpu.memref_slice %arg6[%scan3A_40, %dma_start3A] : memref<79x128xi32, #tpu.memory_space<vmem>> -> memref<1x128xi32, #tpu.memory_space<vmem>>
      %dma_start3A_43 = tpu.memref_squeeze %dma_start3A_42 : memref<1x128xi32, #tpu.memory_space<vmem>> -> memref<128xi32, #tpu.memory_space<vmem>>
      %dma_start3A_44 = arith.constant 0 : i32
      %dma_start3A_45 = arith.constant 0 : i32
      %dma_start3A_46 = tpu.memref_slice %arg2[%dma_start3A_44, %dma_start3A_45] : memref<10240x64xf32, #tpu.memory_space<hbm>> -> memref<10240x64xf32, #tpu.memory_space<hbm>>
      tpu.enqueue_indirect_dma source(%dma_start3A_46 : memref<10240x64xf32, #tpu.memory_space<hbm>>) target(%arg8 : memref<128x64xf32, #tpu.memory_space<vmem>>) offsets(%dma_start3A_43 : memref<128xi32, #tpu.memory_space<vmem>>) semaphore(%arg10 : memref<!tpu.dma_semaphore, #tpu.memory_space<semaphore_mem>>)
      %dma_wait3A = arith.constant 0 : i32
      %dma_wait3A_47 = tpu.memref_slice %arg6[%scan3A_40, %dma_wait3A] : memref<79x128xi32, #tpu.memory_space<vmem>> -> memref<1x128xi32, #tpu.memory_space<vmem>>
      %dma_wait3A_48 = tpu.memref_squeeze %dma_wait3A_47 : memref<1x128xi32, #tpu.memory_space<vmem>> -> memref<128xi32, #tpu.memory_space<vmem>>
      %dma_wait3A_49 = arith.constant 0 : i32
      %dma_wait3A_50 = arith.constant 0 : i32
      %dma_wait3A_51 = tpu.memref_slice %arg2[%dma_wait3A_49, %dma_wait3A_50] : memref<10240x64xf32, #tpu.memory_space<hbm>> -> memref<10240x64xf32, #tpu.memory_space<hbm>>
      tpu.wait_indirect_dma semaphore(%arg10 : memref<!tpu.dma_semaphore, #tpu.memory_space<semaphore_mem>>) src(%dma_wait3A_51 : memref<10240x64xf32, #tpu.memory_space<hbm>>) dst(%arg8 : memref<128x64xf32, #tpu.memory_space<vmem>>)
      %dma_start3A_52 = arith.constant 0 : i32
      %dma_start3A_53 = tpu.memref_slice %arg7[%scan3A_40, %dma_start3A_52] : memref<79x128xi32, #tpu.memory_space<vmem>> -> memref<1x128xi32, #tpu.memory_space<vmem>>
      %dma_start3A_54 = tpu.memref_squeeze %dma_start3A_53 : memref<1x128xi32, #tpu.memory_space<vmem>> -> memref<128xi32, #tpu.memory_space<vmem>>
      %dma_start3A_55 = arith.constant 0 : i32
      %dma_start3A_56 = arith.constant 0 : i32
      %dma_start3A_57 = tpu.memref_slice %arg9[%dma_start3A_55, %dma_start3A_56] : memref<10240x64xf32, #tpu.memory_space<vmem_shared>> -> memref<10240x64xf32, #tpu.memory_space<vmem_shared>>
      tpu.enqueue_indirect_dma source(%arg8 : memref<128x64xf32, #tpu.memory_space<vmem>>) target(%dma_start3A_57 : memref<10240x64xf32, #tpu.memory_space<vmem_shared>>) offsets(%dma_start3A_54 : memref<128xi32, #tpu.memory_space<vmem>>) semaphore(%arg11 : memref<!tpu.dma_semaphore, #tpu.memory_space<semaphore_mem>>) {add = true}
      %dma_wait3A_58 = arith.constant 0 : i32
      %dma_wait3A_59 = tpu.memref_slice %arg7[%scan3A_40, %dma_wait3A_58] : memref<79x128xi32, #tpu.memory_space<vmem>> -> memref<1x128xi32, #tpu.memory_space<vmem>>
      %dma_wait3A_60 = tpu.memref_squeeze %dma_wait3A_59 : memref<1x128xi32, #tpu.memory_space<vmem>> -> memref<128xi32, #tpu.memory_space<vmem>>
      %dma_wait3A_61 = arith.constant 0 : i32
      %dma_wait3A_62 = arith.constant 0 : i32
      %dma_wait3A_63 = tpu.memref_slice %arg9[%dma_wait3A_61, %dma_wait3A_62] : memref<10240x64xf32, #tpu.memory_space<vmem_shared>> -> memref<10240x64xf32, #tpu.memory_space<vmem_shared>>
      tpu.wait_indirect_dma semaphore(%arg11 : memref<!tpu.dma_semaphore, #tpu.memory_space<semaphore_mem>>) src(%arg8 : memref<128x64xf32, #tpu.memory_space<vmem>>) dst(%dma_wait3A_63 : memref<10240x64xf32, #tpu.memory_space<vmem_shared>>)
      %scan3A_64 = arith.constant 0 : i32
      scf.yield %scan3A_64 : i32
    }
    %scan3A_34 = arith.constant 79 : i32
    %barrier3A_35 = arith.constant 0 : index
    tpu.barrier barrier_id(%barrier3A_35)
    %mul3A_36 = arith.constant 640 : i32
    %mul3A_37 = arith.muli %arg1, %mul3A_36 : i32
    %mul3A_38 = arith.constant 640 : i32
    %mul3A_39 = arith.muli %arg1, %mul3A_38 : i32
    "tpu.region"() ({
      %run_scoped3A = tpu.sem_alloc : memref<!tpu.dma_semaphore, #tpu.memory_space<semaphore_mem>>
      %dma_start3A = arith.constant 0 : i32
      %dma_start3A_40 = tpu.memref_slice %arg5[%arg0, %mul3A_39, %dma_start3A] : memref<2x10240x64xf32, #tpu.memory_space<hbm>> -> memref<1x640x64xf32, #tpu.memory_space<hbm>>
      %dma_start3A_41 = tpu.memref_squeeze %dma_start3A_40 : memref<1x640x64xf32, #tpu.memory_space<hbm>> -> memref<640x64xf32, #tpu.memory_space<hbm>>
      %dma_start3A_42 = arith.constant 0 : i32
      %dma_start3A_43 = tpu.memref_slice %arg9[%mul3A_37, %dma_start3A_42] : memref<10240x64xf32, #tpu.memory_space<vmem_shared>> -> memref<640x64xf32, #tpu.memory_space<vmem_shared>>
      tpu.enqueue_dma source(%dma_start3A_43 : memref<640x64xf32, #tpu.memory_space<vmem_shared>>) target(%dma_start3A_41 : memref<640x64xf32, #tpu.memory_space<hbm>>) target_semaphore(%run_scoped3A : memref<!tpu.dma_semaphore, #tpu.memory_space<semaphore_mem>>)
      %dma_wait3A = arith.constant 0 : i32
      %dma_wait3A_44 = tpu.memref_slice %arg5[%arg0, %mul3A_39, %dma_wait3A] : memref<2x10240x64xf32, #tpu.memory_space<hbm>> -> memref<1x640x64xf32, #tpu.memory_space<hbm>>
      %dma_wait3A_45 = tpu.memref_squeeze %dma_wait3A_44 : memref<1x640x64xf32, #tpu.memory_space<hbm>> -> memref<640x64xf32, #tpu.memory_space<hbm>>
      %dma_wait3A_46 = arith.constant 0 : i32
      %dma_wait3A_47 = tpu.memref_slice %arg9[%mul3A_37, %dma_wait3A_46] : memref<10240x64xf32, #tpu.memory_space<vmem_shared>> -> memref<640x64xf32, #tpu.memory_space<vmem_shared>>
      tpu.wait_dma2 semaphore(%run_scoped3A : memref<!tpu.dma_semaphore, #tpu.memory_space<semaphore_mem>>) src(%dma_wait3A_47 : memref<640x64xf32, #tpu.memory_space<vmem_shared>>) dst(%dma_wait3A_45 : memref<640x64xf32, #tpu.memory_space<hbm>>)
      tpu.yield
    }) : () -> ()
    return
  }
}

module attributes {stable_mosaic.version = 14 : i64} {
  func.func @_k1_body(%arg0: memref<10240x1xf32, #tpu.memory_space<vmem>>, %arg1: memref<10240x1xf32, #tpu.memory_space<vmem>>, %arg2: memref<10240x128xf32, #tpu.memory_space<vmem>>, %arg3: memref<128x64xf32, #tpu.memory_space<vmem>>, %arg4: memref<10240x64xf32, #tpu.memory_space<vmem>>, %arg5: memref<10240x1xf32, #tpu.memory_space<vmem>>) attributes {dimension_semantics = [], scalar_prefetch = 0 : i64, scratch_operands = 0 : i64, tpu.core_type = #tpu.core_type<tc>} {
    %get3A = arith.constant 0 : index
    %get3A_0 = arith.constant 0 : index
    %get3A_1 = vector.load %arg0[%get3A, %get3A_0] : memref<10240x1xf32, #tpu.memory_space<vmem>>, vector<10240x1xf32>
    %add3A = arith.constant 1.000000e+00 : f32
    %add3A_2 = vector.broadcast %add3A : f32 to vector<10240x1xf32>
    %add3A_3 = arith.addf %add3A_2, %get3A_1 : vector<10240x1xf32>
    %get3A_4 = arith.constant 0 : index
    %get3A_5 = arith.constant 0 : index
    %get3A_6 = vector.load %arg1[%get3A_4, %get3A_5] : memref<10240x1xf32, #tpu.memory_space<vmem>>, vector<10240x1xf32>
    %add3A_7 = arith.addf %add3A_3, %get3A_6 : vector<10240x1xf32>
    %rsqrt3A = math.rsqrt %add3A_7 : vector<10240x1xf32>
    %swap3A = arith.constant 0 : index
    %swap3A_8 = arith.constant 0 : index
    %swap3A_9 = vector.load %arg5[%swap3A, %swap3A_8] : memref<10240x1xf32, #tpu.memory_space<vmem>>, vector<10240x1xf32>
    tpu.vector_store %arg5[%swap3A, %swap3A_8], %rsqrt3A {strides = array<i32>} : memref<10240x1xf32, #tpu.memory_space<vmem>>, vector<10240x1xf32>,
    %get3A_10 = arith.constant 0 : index
    %get3A_11 = arith.constant 0 : index
    %get3A_12 = vector.load %arg2[%get3A_10, %get3A_11] : memref<10240x128xf32, #tpu.memory_space<vmem>>, vector<10240x128xf32>
    %get3A_13 = arith.constant 0 : index
    %get3A_14 = arith.constant 0 : index
    %get3A_15 = vector.load %arg3[%get3A_13, %get3A_14] : memref<128x64xf32, #tpu.memory_space<vmem>>, vector<128x64xf32>
    %dot_general3A = arith.constant dense<0.000000e+00> : vector<10240x64xf32>
    %dot_general3A_16 = tpu.matmul %get3A_12, %get3A_15, %dot_general3A {dimension_numbers = #tpu.dot_dimension_numbers<[1], [0], [0], [1], [0, 0, 1, 1], [], []>, transpose_lhs_hint = false} : vector<10240x128xf32>, vector<128x64xf32>, vector<10240x64xf32> -> vector<10240x64xf32>
    %mul3A = vector.broadcast %rsqrt3A : vector<10240x1xf32> to vector<10240x64xf32>
    %mul3A_17 = arith.mulf %dot_general3A_16, %mul3A : vector<10240x64xf32>
    %swap3A_18 = arith.constant 0 : index
    %swap3A_19 = arith.constant 0 : index
    %swap3A_20 = vector.load %arg4[%swap3A_18, %swap3A_19] : memref<10240x64xf32, #tpu.memory_space<vmem>>, vector<10240x64xf32>
    tpu.vector_store %arg4[%swap3A_18, %swap3A_19], %mul3A_17 {strides = array<i32>} : memref<10240x64xf32, #tpu.memory_space<vmem>>, vector<10240x64xf32>,
    return
  }
}

module attributes {stable_mosaic.version = 14 : i64} {
  func.func @_k2_body(%arg0: memref<10240x64xf32, #tpu.memory_space<vmem>>, %arg1: memref<10240x64xf32, #tpu.memory_space<vmem>>, %arg2: memref<10240x64xf32, #tpu.memory_space<vmem>>, %arg3: memref<10240x1xf32, #tpu.memory_space<vmem>>, %arg4: memref<1x64xf32, #tpu.memory_space<vmem>>, %arg5: memref<64x64xf32, #tpu.memory_space<vmem>>, %arg6: memref<10240x64xf32, #tpu.memory_space<vmem>>) attributes {dimension_semantics = [], scalar_prefetch = 0 : i64, scratch_operands = 0 : i64, tpu.core_type = #tpu.core_type<tc>} {
    %get3A = arith.constant 0 : index
    %get3A_0 = arith.constant 0 : index
    %get3A_1 = vector.load %arg3[%get3A, %get3A_0] : memref<10240x1xf32, #tpu.memory_space<vmem>>, vector<10240x1xf32>
    %get3A_2 = arith.constant 0 : index
    %get3A_3 = arith.constant 0 : index
    %get3A_4 = vector.load %arg0[%get3A_2, %get3A_3] : memref<10240x64xf32, #tpu.memory_space<vmem>>, vector<10240x64xf32>
    %get3A_5 = arith.constant 0 : index
    %get3A_6 = arith.constant 0 : index
    %get3A_7 = vector.load %arg1[%get3A_5, %get3A_6] : memref<10240x64xf32, #tpu.memory_space<vmem>>, vector<10240x64xf32>
    %add3A = arith.addf %get3A_4, %get3A_7 : vector<10240x64xf32>
    %get3A_8 = arith.constant 0 : index
    %get3A_9 = arith.constant 0 : index
    %get3A_10 = vector.load %arg2[%get3A_8, %get3A_9] : memref<10240x64xf32, #tpu.memory_space<vmem>>, vector<10240x64xf32>
    %add3A_11 = arith.addf %add3A, %get3A_10 : vector<10240x64xf32>
    %mul3A = vector.broadcast %get3A_1 : vector<10240x1xf32> to vector<10240x64xf32>
    %mul3A_12 = arith.mulf %mul3A, %add3A_11 : vector<10240x64xf32>
    %get3A_13 = arith.constant 0 : index
    %get3A_14 = arith.constant 0 : index
    %get3A_15 = vector.load %arg4[%get3A_13, %get3A_14] : memref<1x64xf32, #tpu.memory_space<vmem>>, vector<1x64xf32>
    %add3A_16 = vector.broadcast %get3A_15 : vector<1x64xf32> to vector<10240x64xf32>
    %add3A_17 = arith.addf %mul3A_12, %add3A_16 : vector<10240x64xf32>
    %max3A = arith.constant 0.000000e+00 : f32
    %max3A_18 = vector.broadcast %max3A : f32 to vector<10240x64xf32>
    %max3A_19 = arith.maximumf %add3A_17, %max3A_18 : vector<10240x64xf32>
    %get3A_20 = arith.constant 0 : index
    %get3A_21 = arith.constant 0 : index
    %get3A_22 = vector.load %arg5[%get3A_20, %get3A_21] : memref<64x64xf32, #tpu.memory_space<vmem>>, vector<64x64xf32>
    %dot_general3A = arith.constant dense<0.000000e+00> : vector<10240x64xf32>
    %dot_general3A_23 = tpu.matmul %max3A_19, %get3A_22, %dot_general3A {dimension_numbers = #tpu.dot_dimension_numbers<[1], [0], [0], [1], [0, 0, 1, 1], [], []>, transpose_lhs_hint = false} : vector<10240x64xf32>, vector<64x64xf32>, vector<10240x64xf32> -> vector<10240x64xf32>
    %mul3A_24 = vector.broadcast %get3A_1 : vector<10240x1xf32> to vector<10240x64xf32>
    %mul3A_25 = arith.mulf %dot_general3A_23, %mul3A_24 : vector<10240x64xf32>
    %swap3A = arith.constant 0 : index
    %swap3A_26 = arith.constant 0 : index
    %swap3A_27 = vector.load %arg6[%swap3A, %swap3A_26] : memref<10240x64xf32, #tpu.memory_space<vmem>>, vector<10240x64xf32>
    tpu.vector_store %arg6[%swap3A, %swap3A_26], %mul3A_25 {strides = array<i32>} : memref<10240x64xf32, #tpu.memory_space<vmem>>, vector<10240x64xf32>,
    return
  }
}

module attributes {stable_mosaic.version = 14 : i64} {
  func.func @_k3_body(%arg0: memref<10240x64xf32, #tpu.memory_space<vmem>>, %arg1: memref<10240x64xf32, #tpu.memory_space<vmem>>, %arg2: memref<10240x64xf32, #tpu.memory_space<vmem>>, %arg3: memref<10240x1xf32, #tpu.memory_space<vmem>>, %arg4: memref<1x64xf32, #tpu.memory_space<vmem>>, %arg5: memref<10240x64xf32, #tpu.memory_space<vmem>>) attributes {dimension_semantics = [], scalar_prefetch = 0 : i64, scratch_operands = 0 : i64, tpu.core_type = #tpu.core_type<tc>} {
    %get3A = arith.constant 0 : index
    %get3A_0 = arith.constant 0 : index
    %get3A_1 = vector.load %arg3[%get3A, %get3A_0] : memref<10240x1xf32, #tpu.memory_space<vmem>>, vector<10240x1xf32>
    %get3A_2 = arith.constant 0 : index
    %get3A_3 = arith.constant 0 : index
    %get3A_4 = vector.load %arg0[%get3A_2, %get3A_3] : memref<10240x64xf32, #tpu.memory_space<vmem>>, vector<10240x64xf32>
    %get3A_5 = arith.constant 0 : index
    %get3A_6 = arith.constant 0 : index
    %get3A_7 = vector.load %arg1[%get3A_5, %get3A_6] : memref<10240x64xf32, #tpu.memory_space<vmem>>, vector<10240x64xf32>
    %add3A = arith.addf %get3A_4, %get3A_7 : vector<10240x64xf32>
    %get3A_8 = arith.constant 0 : index
    %get3A_9 = arith.constant 0 : index
    %get3A_10 = vector.load %arg2[%get3A_8, %get3A_9] : memref<10240x64xf32, #tpu.memory_space<vmem>>, vector<10240x64xf32>
    %add3A_11 = arith.addf %add3A, %get3A_10 : vector<10240x64xf32>
    %mul3A = vector.broadcast %get3A_1 : vector<10240x1xf32> to vector<10240x64xf32>
    %mul3A_12 = arith.mulf %mul3A, %add3A_11 : vector<10240x64xf32>
    %get3A_13 = arith.constant 0 : index
    %get3A_14 = arith.constant 0 : index
    %get3A_15 = vector.load %arg4[%get3A_13, %get3A_14] : memref<1x64xf32, #tpu.memory_space<vmem>>, vector<1x64xf32>
    %add3A_16 = vector.broadcast %get3A_15 : vector<1x64xf32> to vector<10240x64xf32>
    %add3A_17 = arith.addf %mul3A_12, %add3A_16 : vector<10240x64xf32>
    %max3A = arith.constant 0.000000e+00 : f32
    %max3A_18 = vector.broadcast %max3A : f32 to vector<10240x64xf32>
    %max3A_19 = arith.maximumf %add3A_17, %max3A_18 : vector<10240x64xf32>
    %swap3A = arith.constant 0 : index
    %swap3A_20 = arith.constant 0 : index
    %swap3A_21 = vector.load %arg5[%swap3A, %swap3A_20] : memref<10240x64xf32, #tpu.memory_space<vmem>>, vector<10240x64xf32>
    tpu.vector_store %arg5[%swap3A, %swap3A_20], %max3A_19 {strides = array<i32>} : memref<10240x64xf32, #tpu.memory_space<vmem>>, vector<10240x64xf32>,
    return
  }
}

module attributes {stable_mosaic.version = 14 : i64} {
  func.func @_pool_body(%arg0: memref<10000x64xf32, #tpu.memory_space<vmem>>, %arg1: memref<10000x64xi32, #tpu.memory_space<vmem>>, %arg2: memref<10000x5xf32, #tpu.memory_space<vmem>>, %arg3: memref<5x1xf32, #tpu.memory_space<vmem>>, %arg4: memref<1x1xf32, #tpu.memory_space<vmem>>, %arg5: memref<64x16xf32, #tpu.memory_space<vmem>>, %arg6: memref<1x16xf32, #tpu.memory_space<vmem>>, %arg7: memref<16x1xf32, #tpu.memory_space<vmem>>, %arg8: memref<1x1xf32, #tpu.memory_space<vmem>>, %arg9: memref<64x1xf32, #tpu.memory_space<vmem>>, %arg10: memref<64x64xf32, #tpu.memory_space<vmem>>) attributes {dimension_semantics = [], scalar_prefetch = 0 : i64, scratch_operands = 1 : i64, tpu.core_type = #tpu.core_type<tc>} {
    %get3A = arith.constant 0 : index
    %get3A_0 = arith.constant 0 : index
    %get3A_1 = vector.load %arg0[%get3A, %get3A_0] : memref<10000x64xf32, #tpu.memory_space<vmem>>, vector<10000x64xf32>
    %get3A_2 = arith.constant 0 : index
    %get3A_3 = arith.constant 0 : index
    %get3A_4 = vector.load %arg1[%get3A_2, %get3A_3] : memref<10000x64xi32, #tpu.memory_space<vmem>>, vector<10000x64xi32>
    %iota3A = tpu.iota {dimensions = array<i32: 1>} : vector<10000x64xi32>
    %eq3A = arith.cmpi eq, %get3A_4, %iota3A : vector<10000x64xi32>
    %convert_element_type3A = arith.extui %eq3A : vector<10000x64xi1> to vector<10000x64xi32>
    %convert_element_type3A_5 = arith.sitofp %convert_element_type3A : vector<10000x64xi32> to vector<10000x64xf32>
    %get3A_6 = arith.constant 0 : index
    %get3A_7 = arith.constant 0 : index
    %get3A_8 = vector.load %arg3[%get3A_6, %get3A_7] : memref<5x1xf32, #tpu.memory_space<vmem>>, vector<5x1xf32>
    %broadcast_in_dim3A = arith.constant 1.000000e+00 : f32
    %broadcast_in_dim3A_9 = vector.broadcast %broadcast_in_dim3A : f32 to vector<1x64xf32>
    %mul3A = vector.broadcast %get3A_8 : vector<5x1xf32> to vector<5x64xf32>
    %mul3A_10 = vector.broadcast %broadcast_in_dim3A_9 : vector<1x64xf32> to vector<5x64xf32>
    %mul3A_11 = arith.mulf %mul3A, %mul3A_10 : vector<5x64xf32>
    %get3A_12 = arith.constant 0 : index
    %get3A_13 = arith.constant 0 : index
    %get3A_14 = vector.load %arg2[%get3A_12, %get3A_13] : memref<10000x5xf32, #tpu.memory_space<vmem>>, vector<10000x5xf32>
    %dot_general3A = arith.constant dense<0.000000e+00> : vector<10000x64xf32>
    %dot_general3A_15 = tpu.matmul %get3A_14, %mul3A_11, %dot_general3A {dimension_numbers = #tpu.dot_dimension_numbers<[1], [0], [0], [1], [0, 0, 1, 1], [], []>, transpose_lhs_hint = false} : vector<10000x5xf32>, vector<5x64xf32>, vector<10000x64xf32> -> vector<10000x64xf32>
    %get3A_16 = arith.constant 0 : index
    %get3A_17 = arith.constant 0 : index
    %get3A_18 = vector.load %arg4[%get3A_16, %get3A_17] : memref<1x1xf32, #tpu.memory_space<vmem>>, vector<1x1xf32>
    %get3A_19 = vector.extract %get3A_18[0, 0] : f32 from vector<1x1xf32>
    %add3A = vector.broadcast %get3A_19 : f32 to vector<10000x64xf32>
    %add3A_20 = arith.addf %dot_general3A_15, %add3A : vector<10000x64xf32>
    %iota3A_21 = tpu.iota {dimensions = array<i32: 0>} : vector<64x64xi32>
    %iota3A_22 = tpu.iota {dimensions = array<i32: 1>} : vector<64x64xi32>
    %eq3A_23 = arith.cmpi eq, %iota3A_21, %iota3A_22 : vector<64x64xi32>
    %convert_element_type3A_24 = arith.extui %eq3A_23 : vector<64x64xi1> to vector<64x64xi32>
    %convert_element_type3A_25 = arith.sitofp %convert_element_type3A_24 : vector<64x64xi32> to vector<64x64xf32>
    %broadcast_in_dim3A_26 = arith.constant 1.000000e+00 : f32
    %broadcast_in_dim3A_27 = vector.broadcast %broadcast_in_dim3A_26 : f32 to vector<64x64xf32>
    %jit3A = arith.constant 0xFF800000 : f32
    %broadcast_in_dim3A_28 = vector.broadcast %jit3A : f32 to vector<10000x64xf32>
    %select_n3A = arith.select %eq3A, %add3A_20, %broadcast_in_dim3A_28 : vector<10000x64xi1>, vector<10000x64xf32>
    %reduce_max3A = arith.constant dense<0xFF800000> : vector<64xf32>
    %reduce_max3A_29 = vector.multi_reduction <maximumf>, %select_n3A, %reduce_max3A [0] : vector<10000x64xf32> to vector<64xf32>
    %broadcast_in_dim3A_30 = vector.shape_cast %reduce_max3A_29 : vector<64xf32> to vector<1x64xf32>
    %eq3A_31 = arith.constant 0xFF800000 : f32
    %eq3A_32 = vector.broadcast %eq3A_31 : f32 to vector<1x64xf32>
    %eq3A_33 = arith.cmpf oeq, %broadcast_in_dim3A_30, %eq3A_32 : vector<1x64xf32>
    %jit3A_34 = arith.constant 0.000000e+00 : f32
    %broadcast_in_dim3A_35 = vector.broadcast %jit3A_34 : f32 to vector<1x64xf32>
    %select_n3A_36 = arith.select %eq3A_33, %broadcast_in_dim3A_35, %broadcast_in_dim3A_30 : vector<1x64xi1>, vector<1x64xf32>
    %mul3A_37 = vector.broadcast %select_n3A_36 : vector<1x64xf32> to vector<64x64xf32>
    %mul3A_38 = arith.mulf %convert_element_type3A_25, %mul3A_37 : vector<64x64xf32>
    %dot_general3A_39 = arith.constant dense<0.000000e+00> : vector<64x64xf32>
    %dot_general3A_40 = tpu.matmul %mul3A_38, %broadcast_in_dim3A_27, %dot_general3A_39 {dimension_numbers = #tpu.dot_dimension_numbers<[1], [0], [0], [1], [0, 0, 1, 1], [], []>, transpose_lhs_hint = false} : vector<64x64xf32>, vector<64x64xf32>, vector<64x64xf32> -> vector<64x64xf32>
    %dot_general3A_41 = arith.constant dense<0.000000e+00> : vector<10000x64xf32>
    %dot_general3A_42 = tpu.matmul %convert_element_type3A_5, %dot_general3A_40, %dot_general3A_41 {dimension_numbers = #tpu.dot_dimension_numbers<[1], [0], [0], [1], [0, 0, 1, 1], [], []>, transpose_lhs_hint = false} : vector<10000x64xf32>, vector<64x64xf32>, vector<10000x64xf32> -> vector<10000x64xf32>
    %sub3A = arith.subf %add3A_20, %dot_general3A_42 : vector<10000x64xf32>
    %exp3A = math.exp %sub3A : vector<10000x64xf32>
    %mul3A_43 = arith.mulf %convert_element_type3A_5, %exp3A : vector<10000x64xf32>
    %reduce_sum3A = arith.constant dense<0.000000e+00> : vector<64xf32>
    %reduce_sum3A_44 = vector.multi_reduction <add>, %mul3A_43, %reduce_sum3A [0] : vector<10000x64xf32> to vector<64xf32>
    %broadcast_in_dim3A_45 = vector.shape_cast %reduce_sum3A_44 : vector<64xf32> to vector<1x64xf32>
    %reduce_sum3A_46 = arith.constant dense<0.000000e+00> : vector<64xf32>
    %reduce_sum3A_47 = vector.multi_reduction <add>, %convert_element_type3A_5, %reduce_sum3A_46 [0] : vector<10000x64xf32> to vector<64xf32>
    %broadcast_in_dim3A_48 = vector.shape_cast %reduce_sum3A_47 : vector<64xf32> to vector<1x64xf32>
    %gt3A = arith.constant 0.000000e+00 : f32
    %gt3A_49 = vector.broadcast %gt3A : f32 to vector<1x64xf32>
    %gt3A_50 = arith.cmpf ogt, %broadcast_in_dim3A_48, %gt3A_49 : vector<1x64xf32>
    %div3A = arith.divf %broadcast_in_dim3A_48, %broadcast_in_dim3A_45 : vector<1x64xf32>
    %jit3A_51 = arith.constant 0.000000e+00 : f32
    %broadcast_in_dim3A_52 = vector.broadcast %jit3A_51 : f32 to vector<1x64xf32>
    %select_n3A_53 = arith.select %gt3A_50, %div3A, %broadcast_in_dim3A_52 : vector<1x64xi1>, vector<1x64xf32>
    %mul3A_54 = vector.broadcast %select_n3A_53 : vector<1x64xf32> to vector<64x64xf32>
    %mul3A_55 = arith.mulf %convert_element_type3A_25, %mul3A_54 : vector<64x64xf32>
    %dot_general3A_56 = arith.constant dense<0.000000e+00> : vector<64x64xf32>
    %dot_general3A_57 = tpu.matmul %mul3A_55, %broadcast_in_dim3A_27, %dot_general3A_56 {dimension_numbers = #tpu.dot_dimension_numbers<[1], [0], [0], [1], [0, 0, 1, 1], [], []>, transpose_lhs_hint = false} : vector<64x64xf32>, vector<64x64xf32>, vector<64x64xf32> -> vector<64x64xf32>
    %dot_general3A_58 = arith.constant dense<0.000000e+00> : vector<10000x64xf32>
    %dot_general3A_59 = tpu.matmul %convert_element_type3A_5, %dot_general3A_57, %dot_general3A_58 {dimension_numbers = #tpu.dot_dimension_numbers<[1], [0], [0], [1], [0, 0, 1, 1], [], []>, transpose_lhs_hint = false} : vector<10000x64xf32>, vector<64x64xf32>, vector<10000x64xf32> -> vector<10000x64xf32>
    %mul3A_60 = arith.mulf %exp3A, %dot_general3A_59 : vector<10000x64xf32>
    %mul3A_61 = arith.mulf %mul3A_60, %get3A_1 : vector<10000x64xf32>
    %scan3A = arith.constant 0xFF800000 : f32
    %scan3A_62 = arith.constant 0 : i32
    %scan3A_63 = arith.constant 64 : i32
    %scan3A_64 = arith.addi %scan3A_62, %scan3A_63 : i32
    %scan3A_65 = arith.constant 1 : i32
    scf.for %scan3A_100 = %scan3A_62 to %scan3A_64 step %scan3A_65  : i32 {
      %eq3A_101 = vector.broadcast %scan3A_100 : i32 to vector<10000x64xi32>
      %eq3A_102 = arith.cmpi eq, %get3A_4, %eq3A_101 : vector<10000x64xi32>
      %broadcast_in_dim3A_103 = vector.broadcast %scan3A : f32 to vector<10000x64xf32>
      %select_n3A_104 = arith.select %eq3A_102, %mul3A_61, %broadcast_in_dim3A_103 : vector<10000x64xi1>, vector<10000x64xf32>
      %reduce_max3A_105 = arith.constant dense<0xFF800000> : vector<64xf32>
      %reduce_max3A_106 = vector.multi_reduction <maximumf>, %select_n3A_104, %reduce_max3A_105 [0] : vector<10000x64xf32> to vector<64xf32>
      %broadcast_in_dim3A_107 = vector.shape_cast %reduce_max3A_106 : vector<64xf32> to vector<1x64xf32>
      %swap3A_108 = arith.index_cast %scan3A_100 : i32 to index
      %swap3A_109 = arith.constant 0 : index
      %swap3A_110 = vector.load %arg10[%swap3A_108, %swap3A_109] : memref<64x64xf32, #tpu.memory_space<vmem>>, vector<1x64xf32>
      tpu.vector_store %arg10[%swap3A_108, %swap3A_109], %broadcast_in_dim3A_107 {strides = array<i32>} : memref<64x64xf32, #tpu.memory_space<vmem>>, vector<1x64xf32>,
    }
    %scan3A_66 = arith.constant 64 : i32
    %get3A_67 = arith.constant 0 : index
    %get3A_68 = arith.constant 0 : index
    %get3A_69 = vector.load %arg10[%get3A_67, %get3A_68] : memref<64x64xf32, #tpu.memory_space<vmem>>, vector<64x64xf32>
    %eq3A_70 = arith.constant 0xFF800000 : f32
    %eq3A_71 = vector.broadcast %eq3A_70 : f32 to vector<64x64xf32>
    %eq3A_72 = arith.cmpf oeq, %get3A_69, %eq3A_71 : vector<64x64xf32>
    %jit3A_73 = arith.constant 0.000000e+00 : f32
    %broadcast_in_dim3A_74 = vector.broadcast %jit3A_73 : f32 to vector<64x64xf32>
    %select_n3A_75 = arith.select %eq3A_72, %broadcast_in_dim3A_74, %get3A_69 : vector<64x64xi1>, vector<64x64xf32>
    %get3A_76 = arith.constant 0 : index
    %get3A_77 = arith.constant 0 : index
    %get3A_78 = vector.load %arg5[%get3A_76, %get3A_77] : memref<64x16xf32, #tpu.memory_space<vmem>>, vector<64x16xf32>
    %dot_general3A_79 = arith.constant dense<0.000000e+00> : vector<64x16xf32>
    %dot_general3A_80 = tpu.matmul %select_n3A_75, %get3A_78, %dot_general3A_79 {dimension_numbers = #tpu.dot_dimension_numbers<[1], [0], [0], [1], [0, 0, 1, 1], [], []>, transpose_lhs_hint = false} : vector<64x64xf32>, vector<64x16xf32>, vector<64x16xf32> -> vector<64x16xf32>
    %get3A_81 = arith.constant 0 : index
    %get3A_82 = arith.constant 0 : index
    %get3A_83 = vector.load %arg6[%get3A_81, %get3A_82] : memref<1x16xf32, #tpu.memory_space<vmem>>, vector<1x16xf32>
    %add3A_84 = vector.broadcast %get3A_83 : vector<1x16xf32> to vector<64x16xf32>
    %add3A_85 = arith.addf %dot_general3A_80, %add3A_84 : vector<64x16xf32>
    %max3A = arith.constant 0.000000e+00 : f32
    %max3A_86 = vector.broadcast %max3A : f32 to vector<64x16xf32>
    %max3A_87 = arith.maximumf %add3A_85, %max3A_86 : vector<64x16xf32>
    %get3A_88 = arith.constant 0 : index
    %get3A_89 = arith.constant 0 : index
    %get3A_90 = vector.load %arg7[%get3A_88, %get3A_89] : memref<16x1xf32, #tpu.memory_space<vmem>>, vector<16x1xf32>
    %dot_general3A_91 = arith.constant dense<0.000000e+00> : vector<64x1xf32>
    %dot_general3A_92 = tpu.matmul %max3A_87, %get3A_90, %dot_general3A_91 {dimension_numbers = #tpu.dot_dimension_numbers<[1], [0], [0], [1], [0, 0, 1, 1], [], []>, transpose_lhs_hint = false} : vector<64x16xf32>, vector<16x1xf32>, vector<64x1xf32> -> vector<64x1xf32>
    %get3A_93 = arith.constant 0 : index
    %get3A_94 = arith.constant 0 : index
    %get3A_95 = vector.load %arg8[%get3A_93, %get3A_94] : memref<1x1xf32, #tpu.memory_space<vmem>>, vector<1x1xf32>
    %add3A_96 = vector.broadcast %get3A_95 : vector<1x1xf32> to vector<64x1xf32>
    %add3A_97 = arith.addf %dot_general3A_92, %add3A_96 : vector<64x1xf32>
    %swap3A = arith.constant 0 : index
    %swap3A_98 = arith.constant 0 : index
    %swap3A_99 = vector.load %arg9[%swap3A, %swap3A_98] : memref<64x1xf32, #tpu.memory_space<vmem>>, vector<64x1xf32>
    tpu.vector_store %arg9[%swap3A, %swap3A_98], %add3A_97 {strides = array<i32>} : memref<64x1xf32, #tpu.memory_space<vmem>>, vector<64x1xf32>,
    return
  }
}

</mosaic_0001>

<sc_bundles>
// kernel: kernel.11.cloned.1.call-start
scs
__scs_entry_jumppad:
0x0: {  	(pc) =	sbr.rel $0x88, $3  }
0x1: {  	(tag) =	ssettag $0x0;
	lr =	simm.s32 $0x1  }
0x2: {  	[smem:$0x3F91] =	sst lr;
	_ =	strace $0xD0000000  }
0x3: {  	_ = 	snop  }
0x4: {  	_ = 	snop  }
0x5: {  	_ = 	snop  }
0x6: {  	_ = 	snop  }
0x7: {  	_ = 	snop  }
__scs_overlays_trampoline_lowered:
0x8: {  	[smem:$0x3FA0] =	sst s0  }
0x9: {  	[smem:$0x3FA1] =	sst s1  }
0xa: {  	[smem:$0x3FA2] =	sst s2  }
0xb: {  	[smem:$0x3FA3] =	sst s3  }
0xc: {  	[smem:$0x3FA4] =	sst s4  }
0xd: {  	[smem:$0x3FA5] =	sst s5  }
0xe: {  	[smem:$0x3FA6] =	sst s6  }
0xf: {  	[smem:$0x3FA7] =	sst s7  }
0x10: {  	[smem:$0x3FA8] =	sst s8  }
0x11: {  	[smem:$0x3FA9] =	sst s9;
	s0 =	simm.s32 @!p0 $0x0  }
0x12: {  	s1 =	sld [smem:$0x3F8F];
	s0 =	simm.s32 @p0 $0x1  }
0x13: {  	[smem:$0x3FAA] =	sst s0;
	s0 =	simm.s32 @!p1 $0x0  }
0x14: {  	s2 =	sld [smem:$0x3F8E];
	s0 =	simm.s32 @p1 $0x1  }
0x15: {  	[smem:$0x3FAB] =	sst s0;
	s0 =	simm.s32 @!p2 $0x0  }
0x16: {  	s3 =	sld [smem:$0x3FDB];
	s0 =	simm.s32 @p2 $0x1  }
0x17: {  	s4 =	simm.s32 $0x1BF5;
	[smem:$0x3FAD] =	sst s0  }
0x18: {  	s0 =	sld [smem:$0x3F90];
	_ =	swait.ge [sflag:s4], $0x0  }
0x19: {  	s7 =	sld [smem:$0x3F91]  }
0x1a: {  	s8 =	sadd.s32 $0xFFFFE003, lr  }
0x1b: {  	s9 =	sadd.s32 $0xFFFFFEF7, lr;
	s5 =	simm.s32 $0xFFFFFFFF;
	p2 =	slt.u32 s8, $0xFFFFF086  }
0x1c: {  	p1 =	slt.u32 s9, $0xF7A;
	s5 =	simm.s32 @!p2 $0x0  }
0x1d: {  	s5 =	simm.s32 @p1 $0x1;
	p0 =	seq.s32 s7, s2  }
0x1e: {  	s7 =	smul.u32 @!p0 $0xF7A, s2;
	p2 =	seq.s32 @!p0 s5, $0x0  }
0x1f: {  	s9 =	smul.u32 $0xF7A, s1;
	s8 =	simm.s32 @!p0 $0x1BF5;
	p2 =	por !p2, p0  }
0x20: {  	[sflag:s8] =	ssyncset.s32 @!p0 $0xFFFFF086;
	s6 =	sadd.s32 @!p0 s3, s7;
	s7 =	simm.s32 @!p0 $0x108  }
0x21: {  	s3 =	sadd.s32 s3, s9;
	s6 =	sadd.s32 @!p0 $0x88, s6;
	s7 =	simm.s32 @p2 $0x1082  }
0x22: {  	[simem:s7], [sflag:s8] =	dma.local @!p0 [hbm:s6], $0xF7A  }
0x23: {  	s9 =	sor.u32 $0xD0000000, s2;
	s6 =	simm.s32 $0x108;
	_ =	swait.ge @!p0 [sflag:s8], $0x0  }
0x24: {  	s3 =	sadd.s32 $0x88, s3;
	s6 =	simm.s32 @!p1 $0x1082;
	[sflag:s4] =	ssyncset.s32 $0xFFFFF086  }
0x25: {  	[simem:s6], [sflag:s4] =	dma.local [hbm:s3], $0xF7A  }
0x26: {  	[smem:$0x3F91] =	sst s1;
	(tag) =	ssettag s2;
	_ =	strace s9  }
0x27: {  	s1 =	sld [smem:$0x3FA1]  }
0x28: {  	s2 =	sld [smem:$0x3FA2]  }
0x29: {  	s4 =	sld [smem:$0x3FA4]  }
0x2a: {  	p0 =	seq.s32 s5, $0x0;
	s5 =	sld [smem:$0x3FA5]  }
0x2b: {  	s6 =	sld [smem:$0x3FA6]  }
0x2c: {  	s7 =	sld [smem:$0x3FA7]  }
0x2d: {  	s3 =	simm.s32 $0x108;
	s8 =	sld [smem:$0x3FA8]  }
0x2e: {  	s3 =	simm.s32 @!p0 $0x1082;
	s9 =	sld [smem:$0x3FA9]  }
0x2f: {  	lr =	sadd.s32 s0, s3;
	s0 =	sld [smem:$0x3FA0]  }
0x30: {  	s3 =	sld [smem:$0x3FA3]  }
0x31: {  	[smem:$0x3FAC] =	sst s10  }
0x32: {  	s10 =	sld [smem:$0x3FAA];
	_ =	sdelay $0x3  }
0x33: {  	p0 =	seq.s32 s10, $0x1;
	s10 =	sld [smem:$0x3FAC];
	_ =	sdelay $0x3  }
0x34: {  	[smem:$0x3FAC] =	sst s10  }
0x35: {  	s10 =	sld [smem:$0x3FAB];
	_ =	sdelay $0x3  }
0x36: {  	p1 =	seq.s32 s10, $0x1;
	s10 =	sld [smem:$0x3FAC];
	_ =	sdelay $0x3  }
0x37: {  	[smem:$0x3FAC] =	sst s10  }
0x38: {  	s10 =	sld [smem:$0x3FAD]  }
0x39: {  	_ = 	snop;
	(pc) =	sbr.ind lr, $3  }
0x3a: {  	_ = 	snop  }
0x3b: {  	_ = 	snop  }
0x3c: {  	p2 =	seq.s32 s10, $0x1;
	s10 =	sld [smem:$0x3FAC]  }
0x3d: {  	_ =	shalt  }
0x3e: {  	_ =	shalt  }
0x3f: {  	_ =	shalt  }
0x40: {  	_ =	shalt  }
0x41: {  	_ =	shalt  }
0x42: {  	_ =	shalt  }
0x43: {  	_ =	shalt  }
0x44: {  	_ =	shalt  }
0x45: {  	_ =	shalt  }
0x46: {  	_ =	shalt  }
0x47: {  	_ =	shalt  }
0x48: {  	_ =	shalt  }
0x49: {  	_ =	shalt  }
0x4a: {  	_ =	shalt  }
0x4b: {  	_ =	shalt  }
0x4c: {  	_ =	shalt  }
0x4d: {  	_ =	shalt  }
0x4e: {  	_ =	shalt  }
0x4f: {  	_ =	shalt  }
0x50: {  	_ =	shalt  }
0x51: {  	_ =	shalt  }
0x52: {  	_ =	shalt  }
0x53: {  	_ =	shalt  }
0x54: {  	_ =	shalt  }
0x55: {  	_ =	shalt  }
0x56: {  	_ =	shalt  }
0x57: {  	_ =	shalt  }
0x58: {  	_ =	shalt  }
0x59: {  	_ =	shalt  }
0x5a: {  	_ =	shalt  }
0x5b: {  	_ =	shalt  }
0x5c: {  	_ =	shalt  }
0x5d: {  	_ =	shalt  }
0x5e: {  	_ =	shalt  }
0x5f: {  	_ =	shalt  }
0x60: {  	_ =	shalt  }
0x61: {  	_ =	shalt  }
0x62: {  	_ =	shalt  }
0x63: {  	_ =	shalt  }
0x64: {  	_ =	shalt  }
0x65: {  	_ =	shalt  }
0x66: {  	_ =	shalt  }
0x67: {  	_ =	shalt  }
0x68: {  	_ =	shalt  }
0x69: {  	_ =	shalt  }
0x6a: {  	_ =	shalt  }
0x6b: {  	_ =	shalt  }
0x6c: {  	_ =	shalt  }
0x6d: {  	_ =	shalt  }
0x6e: {  	_ =	shalt  }
0x6f: {  	_ =	shalt  }
0x70: {  	_ =	shalt  }
0x71: {  	_ =	shalt  }
0x72: {  	_ =	shalt  }
0x73: {  	_ =	shalt  }
0x74: {  	_ =	shalt  }
0x75: {  	_ =	shalt  }
0x76: {  	_ =	shalt  }
0x77: {  	_ =	shalt  }
0x78: {  	_ =	shalt  }
0x79: {  	_ =	shalt  }
0x7a: {  	_ =	shalt  }
0x7b: {  	_ =	shalt  }
0x7c: {  	_ =	shalt  }
0x7d: {  	_ =	shalt  }
0x7e: {  	_ =	shalt  }
0x7f: {  	_ =	shalt  }
0x80: {  	_ =	shalt  }
0x81: {  	_ =	shalt  }
0x82: {  	_ =	shalt  }
0x83: {  	_ =	shalt  }
0x84: {  	_ =	shalt  }
0x85: {  	_ =	shalt  }
0x86: {  	_ =	shalt  }
0x87: {  	_ =	shalt  }
.Lfunc_end0:
.L_simem_size_0:
called_computation_lowered:
.L_overlay_start_0:
0x88: {  	s2 =	sld [smem:$0x3FD9]  }
0x89: {  	s3 =	sld [smem:$0x3FFE];
	_ =	sdelay $0x1  }
0x8a: {  	s1 =	srdreg.scid  }
0x8b: {  	s0 =	sand.u32 $0x1, s1  }
0x8c: {  	s16 =	sshll.u32 s0, $0xA;
	s2 =	sadd.s32 s3, s2  }
0x8d: {  	s2 =	sadd.s32 s2, s16  }
0x8e: {  	[smem:$0x3FB8] =	sst s2  }
0x8f: {  	_ = 	snop  }
0x90: {  	(tm) =	ssettm $0x1  }
0x91: {  	s17 =	sld [smem:$0x3FFB];
	_ =	sdelay $0x3  }
0x92: {  	_ =	strace s17  }
0x93: {  	s2 =	sld [smem:$0x3FFC];
	_ =	sdelay $0x3  }
0x94: {  	_ =	strace s2  }
0x95: {  	s2 =	sld [smem:$0x3FFD];
	_ =	sdelay $0x3  }
0x96: {  	_ =	strace s2  }
0x97: {  	_ =	strace $0x8FFFFFFF  }
0x98: {  	s18 =	sld [smem:$0x3FDB];
	_ =	sdelay $0x1  }
0x99: {  	s19 =	simm.s32 $_scs_section_size  }
0x9a: {  	s4 =	simm.s32 $_size__tile_overlayer_lowered;
	s5 =	simm.s32 $_tile_overlayer_lowered  }
0x9b: {  	s22 =	simm.s32 $0x1BFF;
	s21 =	sshll.u32 s5, $0x1;
	s2 =	sadd.s32 s19, s18  }
0x9c: {  	s6 =	simm.s32 $0x0;
	s20 =	sshll.u32 s4, $0x1;
	s4 =	sadd.s32 s21, s2  }
0x9d: {  	[timem:s6], [sflag:s22] =	dma.local [hbm:s4], s20  }
0x9e: {  	_ =	swait.ge [sflag:s22], s20  }
0x9f: {  	s3 =	ssub.s32 $0x0, s20;
	[sflag:s22] =	ssyncset.done $0x0  }
0xa0: {  	[sflag:s22] =	ssyncadd.s32 s3;
	_ =	sdelay $0x1  }
0xa1: {  	s23 =	simm.s32 $0x1B8B  }
0xa2: {  	_ =	swait.ge [sflag:s23], $0x1  }
0xa3: {  	[sflag:s23] =	ssyncset.done $0x0  }
0xa4: {  	s25 =	simm.s32 $0x1B8E;
	s24 =	sld [smem:$0x3FFE];
	[sflag:s23] =	ssyncadd.s32 $0xFFFFFFFF  }
0xa5: {  	s26 =	simm.s32 $execute0_lowered;
	[smem:$0x3FD2] =	sst s25  }
0xa6: {  	s4 =	sshll.u32 s26, $0x1;
	_ =	strace $0x80000046;
	[dreg:$0x1] =	wrdreg $0xFFFFFFFF  }
0xa7: {  	s28 =	simm.s32 $_size_execute0_lowered;
	s2 =	sadd.s32 s2, s4;
	[dreg:$0x0] =	wrdreg $0x0  }
0xa8: {  	s4 =	sshll.u32 s28, $0x1;
	[dreg:$0x2] =	wrdreg s2  }
0xa9: {  	[dreg:$0x3] =	wrdreg s4  }
0xaa: {  	[dreg:$0x4] =	wrdreg $0xC0  }
0xab: {  	_ =	task [dreg:s6], $0x5FFFF  }
0xac: {  	[dreg:$0x1] =	wrdreg $0xFFFFFFFF  }
0xad: {  	[dreg:$0x0] =	wrdreg $0x60  }
0xae: {  	[dreg:$0x2] =	wrdreg s24  }
0xaf: {  	[dreg:$0x3] =	wrdreg $0x2A800  }
0xb0: {  	[dreg:$0x4] =	wrdreg $0x9  }
0xb1: {  	_ =	task.clear_ibuf [dreg:s6], $0x5FFFF;
	_ =	strace $0x90000046  }
0xb2: {  	s29 =	simm.s32 $0x9;
	_ =	strace $0x80000048  }
0xb3: {  	_ =	swait.ge [sflag:s29], $0x1  }
0xb4: {  	[sflag:s29] =	ssyncadd.s32 $0xFFFFFFFF  }
0xb5: {  	_ =	strace $0x90000048  }
0xb6: {  	_ =	sfence  }
0xb7: {  	s30 =	sld [smem:$0x0];
	_ =	sdelay $0x2  }
0xb8: {  	s31 =	sshll.u32 s1, $0xD;
	s1 =	sshrl.u32 s1, $0x2  }
0xb9: {  	s3 =	sand.u32 $0x4000, s31;
	s1 =	sadd.s32 s1, s30  }
0xba: {  	s0 =	sor.u32 s3, s0;
	s1 =	sshll.u32 s1, $0x11  }
0xbb: {  	s0 =	sor.u32 s1, s0  }
0xbc: {  	s0 =	sadd.s32 $0x8F2B, s0  }
0xbd: {  	[sflag:s0] =	ssyncadd.remote.s32 $0x1  }
0xbe: {  	_ =	sfence.sel $0xFFFF  }
0xbf: {  	[dreg:$0x0] =	wrdreg $0xFFFFFFFF;
	(pc) =	sbr.abs _section_cstart, $3  }
0xc0: {  	[dreg:$0x1] =	wrdreg $0xFFFFFFFF  }
0xc1: {  	_ =	task.clear_ibuf [dreg:s6], $0x2FFFF;
	_ =	strace $0x9FFFFFFF  }
0xc2: {  	(tm) =	ssettm $0x7FFFFFFF  }
0xc3: {  	_ =	shalt  }
tec
execute0_lowered:
.L_overlay_start_1:
0x0: {  	(tag) =	ssettag $0x1  }
0x1: {  	s4 =	rddreg [dreg:$0x0];
	s0 =	srdreg.scid  }
0x2: {  	s2 =	rddreg [dreg:$0x1];
	s1 =	stileid.u32  }
0x3: {  	s3 =	simm.s32 $0x0;
	s10 =	simm.s32 $0x80;
	s11 =	simm.s32 $0x1  }
0x4: {  	s14 =	simm.s32 $0x20;
	s15 =	simm.s32 $0x10;
	s16 =	simm.s32 $0x0  }
0x5: {  	s5 =	sand.u32 $0x1, s0;
	s0 =	rddreg [dreg:$0x2];
	s7 =	smul.u32 $0x500, s1  }
0x6: {  	[smem:$0x7FF] =	sst s3;
	s30 =	smul.u32 $0xA00, s1;
	s12 =	sshll.u32 s1, $0x6  }
0x7: {  	s6 =	sshll.u32 s5, $0x4;
	s8 =	sshll.u32 s5, $0x7;
	_ =	strace $0x80000047  }
0x8: {  	s5 =	ssub.s32 $0x2, s5;
	s12 =	sor.u32 $0x1C02, s12;
	s6 =	sor.u32 s1, s6  }
0x9: {  	s7 =	sor.u32 s8, s7;
	s31 =	sshrl.u32 s5, $0x1;
	s6 =	smul.u32 $0x500, s6  }
0xa: {  	s8 =	sshrl.u32 s30, $0x2;
	s7 =	sshrl.u32 s7, $0x3;
	s9 =	ssub.s32 s5, s31  }
0xb: {  	s7 =	sadd.s32 s7, s4;
	s6 =	sadd.s32 s6, s4;
	s4 =	sadd.s32 s8, s2  }
0xc: {  	s8 =	simm.s32 $0x2800;
	s5 =	sadd.s32 $0xDE00, s6;
	s6 =	sadd.s32 $0x17E00, s7  }
0xd: {  	v0 =	vimm.f32 $0.0e+00;
	v1 =	vimm.f32 $1.000000000e+00;
	s7 =	smax.u32 s9, $0x1;
	s9 =	simm.s32 $0x2;
	s13 =	sshrl.u32 s4, $0x3  }
.LBB2_1:
0xe: {  	[tilespmem:$0x2800] =	vst v0  }
0xf: {  	[tilespmem:$0x2810] =	vst v0  }
0x10: {  	[tilespmem:$0x2820] =	vst v0  }
0x11: {  	[tilespmem:$0x2830] =	vst v0  }
0x12: {  	[tilespmem:$0x2840] =	vst v0  }
0x13: {  	[tilespmem:$0x2850] =	vst v0  }
0x14: {  	[tilespmem:$0x2860] =	vst v0  }
0x15: {  	[tilespmem:$0x2870] =	vst v0  }
0x16: {  	[tilespmem:$0x2880] =	vst v0  }
0x17: {  	[tilespmem:$0x2890] =	vst v0  }
0x18: {  	[tilespmem:$0x28A0] =	vst v0  }
0x19: {  	[tilespmem:$0x28B0] =	vst v0  }
0x1a: {  	[tilespmem:$0x28C0] =	vst v0  }
0x1b: {  	[tilespmem:$0x28D0] =	vst v0  }
0x1c: {  	[tilespmem:$0x28E0] =	vst v0  }
0x1d: {  	[tilespmem:$0x28F0] =	vst v0  }
0x1e: {  	[tilespmem:$0x2900] =	vst v0  }
0x1f: {  	[tilespmem:$0x2910] =	vst v0  }
0x20: {  	[tilespmem:$0x2920] =	vst v0  }
0x21: {  	[tilespmem:$0x2930] =	vst v0  }
0x22: {  	[tilespmem:$0x2940] =	vst v0  }
0x23: {  	[tilespmem:$0x2950] =	vst v0  }
0x24: {  	[tilespmem:$0x2960] =	vst v0  }
0x25: {  	[tilespmem:$0x2970] =	vst v0  }
0x26: {  	[tilespmem:$0x2980] =	vst v0  }
0x27: {  	[tilespmem:$0x2990] =	vst v0  }
0x28: {  	[tilespmem:$0x29A0] =	vst v0  }
0x29: {  	[tilespmem:$0x29B0] =	vst v0  }
0x2a: {  	[tilespmem:$0x29C0] =	vst v0  }
0x2b: {  	[tilespmem:$0x29D0] =	vst v0  }
0x2c: {  	[tilespmem:$0x29E0] =	vst v0  }
0x2d: {  	[tilespmem:$0x29F0] =	vst v0  }
0x2e: {  	[tilespmem:$0x2A00] =	vst v0  }
0x2f: {  	[tilespmem:$0x2A10] =	vst v0  }
0x30: {  	[tilespmem:$0x2A20] =	vst v0  }
0x31: {  	[tilespmem:$0x2A30] =	vst v0  }
0x32: {  	[tilespmem:$0x2A40] =	vst v0  }
0x33: {  	[tilespmem:$0x2A50] =	vst v0  }
0x34: {  	[tilespmem:$0x2A60] =	vst v0  }
0x35: {  	[tilespmem:$0x2A70] =	vst v0  }
0x36: {  	[spmem:s4] =	stream.linear.scatter [tilespmem:s8], [sflag:$0x2], $0x280, $0x38;
	[tilespmem:$0x2D00] =	vst v63  }
0x37: {  	_ =	swait.ge [sflag:s9], $0x280  }
0x38: {  	[sflag:s9] =	ssyncset.done $0x0  }
0x39: {  	[sflag:s9] =	ssyncadd.s32 $0xFFFFFD80  }
0x3a: {  	[tilespmem:s3], [sflag:$0x2] =	stream.linear.gather [hbm4b:s5+s3], $0x2780, $0x38;
	[tilespmem:$0x2D00] =	vst v63  }
0x3b: {  	_ =	swait.ge [sflag:s9], $0x2780  }
0x3c: {  	[sflag:s9] =	ssyncset.done $0x0  }
0x3d: {  	[sflag:s9] =	ssyncadd.s32 $0xFFFFD880  }
0x3e: {  	[tilespmem:$0x2800] =	vst v1  }
0x3f: {  	[tilespmem:$0x2810] =	vst v1  }
0x40: {  	[tilespmem:$0x2820] =	vst v1  }
0x41: {  	[tilespmem:$0x2830] =	vst v1  }
0x42: {  	[tilespmem:$0x2840] =	vst v1  }
0x43: {  	[tilespmem:$0x2850] =	vst v1  }
0x44: {  	[tilespmem:$0x2860] =	vst v1  }
0x45: {  	[tilespmem:$0x2870] =	vst v1  }
0x46: {  	s17 =	simm.s32 $0x0;
	[bflag:$0x0] =	sbarrier.arrive $0xFFFF  }
0x47: {  	[spmem:s2] =	stream.indirect.scatter.add.f32 [tilespmem:s8], [sflag:$0x1], $0x1, s17, s10, $0xb8;
	[tilespmem:$0x2D00] =	vst v63  }
0x48: {  	_ =	swait.ge [sflag:s11], $0x80  }
0x49: {  	s17 =	simm.s32 $0x200;
	[sflag:s11] =	ssyncset.done $0x0  }
.LBB2_2:
0x4a: {  	s18 =	sshra.s32 s17, $0x2;
	[sflag:s11] =	ssyncadd.s32 $0xFFFFFF80;
	p0 =	sne.s32 s17, $0x9C00  }
0x4b: {  	[spmem:s2] =	stream.indirect.scatter.add.f32 [tilespmem:s8], [sflag:$0x1], $0x1, s18, s10, $0xb8;
	[tilespmem:$0x2D00] =	vst v63  }
.Ltmp0:
0x4c: {  	_ = 	snop;
	(pc) =	sbr.rel @p0 .LBB2_2-.Ltmp0, $4  }
0x4d: {  	_ = 	snop  }
0x4e: {  	s17 =	sadd.s32 $0x200, s17  }
0x4f: {  	_ =	swait.ge [sflag:s11], $0x80  }
0x50: {  	[sflag:s11] =	ssyncset.done $0x0  }
0x51: {  	s16 =	sadd.s32 $0x1, s16  }
0x52: {  	[sflag:s11] =	ssyncadd.s32 $0xFFFFFF80;
	p0 =	sne.s32 s16, s7  }
.Ltmp1:
0x53: {  	[bflag:$0x0] =	sbarrier.arrive $0xFFFF;
	(pc) =	sbr.rel @p0 .LBB2_1-.Ltmp1, $4  }
0x54: {  	[hbm:s6@s14], [sflag:s12] =	dma.strided [spmem:s13@s15], $0x50, s11, $0x10   }
0x55: {  	_ =	swait.ge [sflag:s9], $0x50  }
0x56: {  	[sflag:s9] =	ssyncset.done $0x0  }
0x57: {  	[sflag:s9] =	ssyncadd.s32 $0xFFFFFFB0  }
0x58: {  	_ =	sfence.sel $0x180000  }
0x59: {  	[bflag:$0x0] =	sbarrier.arrive $0xFFFF  }
0x5a: {  	p0 =	sne.s32 s1, $0x0;
	_ =	strace $0x90000047  }
0x5b: {  	s0 =	sadd.s32 @!p0 $0x100000, s0;
	[bflag:$0x2] =	sbarrier.arrive $0xFFFF  }
0x5c: {  	[sflag:s0] =	ssyncadd.tile.s32 @!p0 $0x1;
	_ =	shalt  }
.Lfunc_end2:
_tile_overlayer_lowered:
.L_overlay_start_2:
0x5d: {  	(tag) =	ssettag $0x2  }
0x5e: {  	s0 =	rddreg [dreg:$0x0];
	s2 =	stileid.u32  }
0x5f: {  	s1 =	rddreg [dreg:$0x1];
	p0 =	sne.s32 s2, $0x0  }
0x60: {  	s3 =	rddreg [dreg:$0x2];
	[bflag:$0x3] =	sbarrier.arrive $0xFFFF;
	s2 =	simm.s32 @!p0 $0x1C02  }
0x61: {  	[timem:s3], [sflag:s2] =	dma.local @!p0 [hbm:s0], s1  }
0x62: {  	s0 =	simm.s32 @!p0 $0x2  }
0x63: {  	_ =	swait.ge @!p0 [sflag:s0], s1  }
0x64: {  	s1 =	ssub.s32 @!p0 $0x0, s1;
	[sflag:s0] =	ssyncset.done @!p0 $0x0  }
0x65: {  	[sflag:s0] =	ssyncadd.s32 @!p0 s1  }
0x66: {  	[bflag:$0x3] =	sbarrier.arrive $0xFFFF  }
0x67: {  	_ =	shalt  }

// kernel: kernel.14.cloned.1.call-start
scs
__scs_entry_jumppad:
0x0: {  	(pc) =	sbr.rel $0x88, $3  }
0x1: {  	(tag) =	ssettag $0x0;
	lr =	simm.s32 $0x1  }
0x2: {  	[smem:$0x3F91] =	sst lr;
	_ =	strace $0xD0000000  }
0x3: {  	_ = 	snop  }
0x4: {  	_ = 	snop  }
0x5: {  	_ = 	snop  }
0x6: {  	_ = 	snop  }
0x7: {  	_ = 	snop  }
__scs_overlays_trampoline_lowered:
0x8: {  	[smem:$0x3FA0] =	sst s0  }
0x9: {  	[smem:$0x3FA1] =	sst s1  }
0xa: {  	[smem:$0x3FA2] =	sst s2  }
0xb: {  	[smem:$0x3FA3] =	sst s3  }
0xc: {  	[smem:$0x3FA4] =	sst s4  }
0xd: {  	[smem:$0x3FA5] =	sst s5  }
0xe: {  	[smem:$0x3FA6] =	sst s6  }
0xf: {  	[smem:$0x3FA7] =	sst s7  }
0x10: {  	[smem:$0x3FA8] =	sst s8  }
0x11: {  	[smem:$0x3FA9] =	sst s9;
	s0 =	simm.s32 @!p0 $0x0  }
0x12: {  	s1 =	sld [smem:$0x3F8F];
	s0 =	simm.s32 @p0 $0x1  }
0x13: {  	[smem:$0x3FAA] =	sst s0;
	s0 =	simm.s32 @!p1 $0x0  }
0x14: {  	s2 =	sld [smem:$0x3F8E];
	s0 =	simm.s32 @p1 $0x1  }
0x15: {  	[smem:$0x3FAB] =	sst s0;
	s0 =	simm.s32 @!p2 $0x0  }
0x16: {  	s3 =	sld [smem:$0x3FDB];
	s0 =	simm.s32 @p2 $0x1  }
0x17: {  	s4 =	simm.s32 $0x1BF5;
	[smem:$0x3FAD] =	sst s0  }
0x18: {  	s0 =	sld [smem:$0x3F90];
	_ =	swait.ge [sflag:s4], $0x0  }
0x19: {  	s7 =	sld [smem:$0x3F91]  }
0x1a: {  	s8 =	sadd.s32 $0xFFFFE003, lr  }
0x1b: {  	s9 =	sadd.s32 $0xFFFFFEF7, lr;
	s5 =	simm.s32 $0xFFFFFFFF;
	p2 =	slt.u32 s8, $0xFFFFF086  }
0x1c: {  	p1 =	slt.u32 s9, $0xF7A;
	s5 =	simm.s32 @!p2 $0x0  }
0x1d: {  	s5 =	simm.s32 @p1 $0x1;
	p0 =	seq.s32 s7, s2  }
0x1e: {  	s7 =	smul.u32 @!p0 $0xF7A, s2;
	p2 =	seq.s32 @!p0 s5, $0x0  }
0x1f: {  	s9 =	smul.u32 $0xF7A, s1;
	s8 =	simm.s32 @!p0 $0x1BF5;
	p2 =	por !p2, p0  }
0x20: {  	[sflag:s8] =	ssyncset.s32 @!p0 $0xFFFFF086;
	s6 =	sadd.s32 @!p0 s3, s7;
	s7 =	simm.s32 @!p0 $0x108  }
0x21: {  	s3 =	sadd.s32 s3, s9;
	s6 =	sadd.s32 @!p0 $0x88, s6;
	s7 =	simm.s32 @p2 $0x1082  }
0x22: {  	[simem:s7], [sflag:s8] =	dma.local @!p0 [hbm:s6], $0xF7A  }
0x23: {  	s9 =	sor.u32 $0xD0000000, s2;
	s6 =	simm.s32 $0x108;
	_ =	swait.ge @!p0 [sflag:s8], $0x0  }
0x24: {  	s3 =	sadd.s32 $0x88, s3;
	s6 =	simm.s32 @!p1 $0x1082;
	[sflag:s4] =	ssyncset.s32 $0xFFFFF086  }
0x25: {  	[simem:s6], [sflag:s4] =	dma.local [hbm:s3], $0xF7A  }
0x26: {  	[smem:$0x3F91] =	sst s1;
	(tag) =	ssettag s2;
	_ =	strace s9  }
0x27: {  	s1 =	sld [smem:$0x3FA1]  }
0x28: {  	s2 =	sld [smem:$0x3FA2]  }
0x29: {  	s4 =	sld [smem:$0x3FA4]  }
0x2a: {  	p0 =	seq.s32 s5, $0x0;
	s5 =	sld [smem:$0x3FA5]  }
0x2b: {  	s6 =	sld [smem:$0x3FA6]  }
0x2c: {  	s7 =	sld [smem:$0x3FA7]  }
0x2d: {  	s3 =	simm.s32 $0x108;
	s8 =	sld [smem:$0x3FA8]  }
0x2e: {  	s3 =	simm.s32 @!p0 $0x1082;
	s9 =	sld [smem:$0x3FA9]  }
0x2f: {  	lr =	sadd.s32 s0, s3;
	s0 =	sld [smem:$0x3FA0]  }
0x30: {  	s3 =	sld [smem:$0x3FA3]  }
0x31: {  	[smem:$0x3FAC] =	sst s10  }
0x32: {  	s10 =	sld [smem:$0x3FAA];
	_ =	sdelay $0x3  }
0x33: {  	p0 =	seq.s32 s10, $0x1;
	s10 =	sld [smem:$0x3FAC];
	_ =	sdelay $0x3  }
0x34: {  	[smem:$0x3FAC] =	sst s10  }
0x35: {  	s10 =	sld [smem:$0x3FAB];
	_ =	sdelay $0x3  }
0x36: {  	p1 =	seq.s32 s10, $0x1;
	s10 =	sld [smem:$0x3FAC];
	_ =	sdelay $0x3  }
0x37: {  	[smem:$0x3FAC] =	sst s10  }
0x38: {  	s10 =	sld [smem:$0x3FAD]  }
0x39: {  	_ = 	snop;
	(pc) =	sbr.ind lr, $3  }
0x3a: {  	_ = 	snop  }
0x3b: {  	_ = 	snop  }
0x3c: {  	p2 =	seq.s32 s10, $0x1;
	s10 =	sld [smem:$0x3FAC]  }
0x3d: {  	_ =	shalt  }
0x3e: {  	_ =	shalt  }
0x3f: {  	_ =	shalt  }
0x40: {  	_ =	shalt  }
0x41: {  	_ =	shalt  }
0x42: {  	_ =	shalt  }
0x43: {  	_ =	shalt  }
0x44: {  	_ =	shalt  }
0x45: {  	_ =	shalt  }
0x46: {  	_ =	shalt  }
0x47: {  	_ =	shalt  }
0x48: {  	_ =	shalt  }
0x49: {  	_ =	shalt  }
0x4a: {  	_ =	shalt  }
0x4b: {  	_ =	shalt  }
0x4c: {  	_ =	shalt  }
0x4d: {  	_ =	shalt  }
0x4e: {  	_ =	shalt  }
0x4f: {  	_ =	shalt  }
0x50: {  	_ =	shalt  }
0x51: {  	_ =	shalt  }
0x52: {  	_ =	shalt  }
0x53: {  	_ =	shalt  }
0x54: {  	_ =	shalt  }
0x55: {  	_ =	shalt  }
0x56: {  	_ =	shalt  }
0x57: {  	_ =	shalt  }
0x58: {  	_ =	shalt  }
0x59: {  	_ =	shalt  }
0x5a: {  	_ =	shalt  }
0x5b: {  	_ =	shalt  }
0x5c: {  	_ =	shalt  }
0x5d: {  	_ =	shalt  }
0x5e: {  	_ =	shalt  }
0x5f: {  	_ =	shalt  }
0x60: {  	_ =	shalt  }
0x61: {  	_ =	shalt  }
0x62: {  	_ =	shalt  }
0x63: {  	_ =	shalt  }
0x64: {  	_ =	shalt  }
0x65: {  	_ =	shalt  }
0x66: {  	_ =	shalt  }
0x67: {  	_ =	shalt  }
0x68: {  	_ =	shalt  }
0x69: {  	_ =	shalt  }
0x6a: {  	_ =	shalt  }
0x6b: {  	_ =	shalt  }
0x6c: {  	_ =	shalt  }
0x6d: {  	_ =	shalt  }
0x6e: {  	_ =	shalt  }
0x6f: {  	_ =	shalt  }
0x70: {  	_ =	shalt  }
0x71: {  	_ =	shalt  }
0x72: {  	_ =	shalt  }
0x73: {  	_ =	shalt  }
0x74: {  	_ =	shalt  }
0x75: {  	_ =	shalt  }
0x76: {  	_ =	shalt  }
0x77: {  	_ =	shalt  }
0x78: {  	_ =	shalt  }
0x79: {  	_ =	shalt  }
0x7a: {  	_ =	shalt  }
0x7b: {  	_ =	shalt  }
0x7c: {  	_ =	shalt  }
0x7d: {  	_ =	shalt  }
0x7e: {  	_ =	shalt  }
0x7f: {  	_ =	shalt  }
0x80: {  	_ =	shalt  }
0x81: {  	_ =	shalt  }
0x82: {  	_ =	shalt  }
0x83: {  	_ =	shalt  }
0x84: {  	_ =	shalt  }
0x85: {  	_ =	shalt  }
0x86: {  	_ =	shalt  }
0x87: {  	_ =	shalt  }
.Lfunc_end0:
.L_simem_size_0:
called_computation.1_lowered:
.L_overlay_start_0:
0x88: {  	s2 =	sld [smem:$0x3FD9]  }
0x89: {  	s3 =	sld [smem:$0x3FFE];
	_ =	sdelay $0x1  }
0x8a: {  	s1 =	srdreg.scid  }
0x8b: {  	s0 =	sand.u32 $0x1, s1  }
0x8c: {  	s16 =	sshll.u32 s0, $0xA;
	s2 =	sadd.s32 s3, s2  }
0x8d: {  	s2 =	sadd.s32 s2, s16  }
0x8e: {  	[smem:$0x3FB8] =	sst s2  }
0x8f: {  	_ = 	snop  }
0x90: {  	(tm) =	ssettm $0x1  }
0x91: {  	s17 =	sld [smem:$0x3FFB];
	_ =	sdelay $0x3  }
0x92: {  	_ =	strace s17  }
0x93: {  	s2 =	sld [smem:$0x3FFC];
	_ =	sdelay $0x3  }
0x94: {  	_ =	strace s2  }
0x95: {  	s2 =	sld [smem:$0x3FFD];
	_ =	sdelay $0x3  }
0x96: {  	_ =	strace s2  }
0x97: {  	_ =	strace $0x8FFFFFFF  }
0x98: {  	s18 =	sld [smem:$0x3FDB];
	_ =	sdelay $0x1  }
0x99: {  	s19 =	simm.s32 $_scs_section_size  }
0x9a: {  	s4 =	simm.s32 $_size__tile_overlayer_lowered;
	s5 =	simm.s32 $_tile_overlayer_lowered  }
0x9b: {  	s22 =	simm.s32 $0x1BFF;
	s21 =	sshll.u32 s5, $0x1;
	s2 =	sadd.s32 s19, s18  }
0x9c: {  	s6 =	simm.s32 $0x0;
	s20 =	sshll.u32 s4, $0x1;
	s4 =	sadd.s32 s21, s2  }
0x9d: {  	[timem:s6], [sflag:s22] =	dma.local [hbm:s4], s20  }
0x9e: {  	_ =	swait.ge [sflag:s22], s20  }
0x9f: {  	s3 =	ssub.s32 $0x0, s20;
	[sflag:s22] =	ssyncset.done $0x0  }
0xa0: {  	[sflag:s22] =	ssyncadd.s32 s3;
	_ =	sdelay $0x1  }
0xa1: {  	s23 =	simm.s32 $0x1B8B  }
0xa2: {  	_ =	swait.ge [sflag:s23], $0x1  }
0xa3: {  	[sflag:s23] =	ssyncset.done $0x0  }
0xa4: {  	s25 =	simm.s32 $0x1B8E;
	s24 =	sld [smem:$0x3FFE];
	[sflag:s23] =	ssyncadd.s32 $0xFFFFFFFF  }
0xa5: {  	s26 =	simm.s32 $execute0_lowered;
	[smem:$0x3FD2] =	sst s25  }
0xa6: {  	s4 =	sshll.u32 s26, $0x1;
	_ =	strace $0x80000049;
	[dreg:$0x1] =	wrdreg $0xFFFFFFFF  }
0xa7: {  	s28 =	simm.s32 $_size_execute0_lowered;
	s2 =	sadd.s32 s2, s4;
	[dreg:$0x0] =	wrdreg $0x0  }
0xa8: {  	s4 =	sshll.u32 s28, $0x1;
	[dreg:$0x2] =	wrdreg s2  }
0xa9: {  	[dreg:$0x3] =	wrdreg s4  }
0xaa: {  	[dreg:$0x4] =	wrdreg $0xC0  }
0xab: {  	_ =	task [dreg:s6], $0x5FFFF  }
0xac: {  	[dreg:$0x1] =	wrdreg $0xFFFFFFFF  }
0xad: {  	[dreg:$0x0] =	wrdreg $0x60  }
0xae: {  	[dreg:$0x2] =	wrdreg s24  }
0xaf: {  	[dreg:$0x3] =	wrdreg $0x6F000  }
0xb0: {  	[dreg:$0x4] =	wrdreg $0x9  }
0xb1: {  	_ =	task.clear_ibuf [dreg:s6], $0x5FFFF;
	_ =	strace $0x90000049  }
0xb2: {  	s29 =	simm.s32 $0x9;
	_ =	strace $0x8000004B  }
0xb3: {  	_ =	swait.ge [sflag:s29], $0x1  }
0xb4: {  	[sflag:s29] =	ssyncadd.s32 $0xFFFFFFFF  }
0xb5: {  	_ =	strace $0x9000004B  }
0xb6: {  	_ =	sfence  }
0xb7: {  	s30 =	sld [smem:$0x0];
	_ =	sdelay $0x2  }
0xb8: {  	s31 =	sshll.u32 s1, $0xD;
	s1 =	sshrl.u32 s1, $0x2  }
0xb9: {  	s3 =	sand.u32 $0x4000, s31;
	s1 =	sadd.s32 s1, s30  }
0xba: {  	s0 =	sor.u32 s3, s0;
	s1 =	sshll.u32 s1, $0x11  }
0xbb: {  	s0 =	sor.u32 s1, s0  }
0xbc: {  	s0 =	sadd.s32 $0x8F2B, s0  }
0xbd: {  	[sflag:s0] =	ssyncadd.remote.s32 $0x1  }
0xbe: {  	_ =	sfence.sel $0xFFFF  }
0xbf: {  	[dreg:$0x0] =	wrdreg $0xFFFFFFFF;
	(pc) =	sbr.abs _section_cstart, $3  }
0xc0: {  	[dreg:$0x1] =	wrdreg $0xFFFFFFFF  }
0xc1: {  	_ =	task.clear_ibuf [dreg:s6], $0x2FFFF;
	_ =	strace $0x9FFFFFFF  }
0xc2: {  	(tm) =	ssettm $0x7FFFFFFF  }
0xc3: {  	_ =	shalt  }
tec
execute0_lowered:
.L_overlay_start_1:
0x0: {  	(tag) =	ssettag $0x1  }
0x1: {  	s6 =	rddreg [dreg:$0x0]  }
0x2: {  	s0 =	srdreg.scid;
	s2 =	rddreg [dreg:$0x1];
	s3 =	simm.s32 $0x0  }
0x3: {  	s14 =	simm.s32 $0x4F00;
	s15 =	simm.s32 $0x3;
	s16 =	simm.s32 $0x2780  }
0x4: {  	s17 =	simm.s32 $0x80;
	s5 =	sand.u32 $0x1, s0;
	s0 =	stileid.u32  }
0x5: {  	s18 =	simm.s32 $0x1;
	s19 =	simm.s32 $0x2;
	s8 =	smul.u32 $0xA000, s0  }
0x6: {  	[smem:$0x7FF] =	sst s3;
	s1 =	sshll.u32 s5, $0x4;
	s9 =	smul.u32 $0xA0000, s5  }
0x7: {  	s10 =	smul.u32 $0x28000, s0;
	s5 =	ssub.s32 $0x2, s5;
	s1 =	sor.u32 s0, s1  }
0x8: {  	s4 =	sadd.s32 $0x72600, s6;
	s30 =	sshrl.u32 s5, $0x1;
	s7 =	smul.u32 $0x4F0, s1  }
0x9: {  	s1 =	rddreg [dreg:$0x2];
	_ =	strace $0x8000004A;
	s29 =	sadd.s32 s8, s9  }
0xa: {  	s10 =	sshrl.u32 s10, $0x2;
	s13 =	ssub.s32 s5, s30;
	s5 =	sadd.s32 s8, s2  }
0xb: {  	s31 =	sadd.s32 s10, s2;
	s13 =	smax.u32 s13, $0x1;
	s11 =	sadd.s32 s7, s6  }
0xc: {  	s7 =	sshrl.u32 s29, $0x3;
	s8 =	sadd.s32 $0x6000, s31;
	s9 =	sadd.s32 $0x8000, s31  }
0xd: {  	s12 =	sadd.s32 s7, s6;
	s6 =	sadd.s32 $0x2000, s31;
	s7 =	sadd.s32 $0x4000, s31  }
0xe: {  	v0 =	vimm.f32 $0.0e+00;
	s10 =	sadd.s32 $0x18800, s11;
	s11 =	sadd.s32 $0x4000, s11;
	s12 =	sadd.s32 $0x86600, s12  }
.LBB2_1:
0xf: {  	s21 =	simm.s32 $0x100;
	s20 =	simm.s32 $0x0  }
.LBB2_2:
0x10: {  	p0 =	sne.s32 s21, $0x7F00;
	[tilespmem:s20+$0x4F30] =	vst v0;
	s22 =	smov.u32 s21;
	s21 =	sadd.s32 $0x100, s21  }
.Ltmp0:
0x11: {  	[tilespmem:s20+$0x4F20] =	vst v0;
	(pc) =	sbr.rel @p0 .LBB2_2-.Ltmp0, $3  }
0x12: {  	[tilespmem:s20+$0x4F00] =	vst v0  }
0x13: {  	[tilespmem:s20+$0x4F10] =	vst v0;
	_ =	sdelay $0x1  }
0x14: {  	s20 =	sshra.s32 s22, $0x2  }
0x15: {  	[tilespmem:s20+$0x4F30] =	vst v0  }
0x16: {  	[tilespmem:s20+$0x4F20] =	vst v0  }
0x17: {  	[tilespmem:s20+$0x4F00] =	vst v0  }
0x18: {  	[tilespmem:s20+$0x4F10] =	vst v0  }
0x19: {  	[spmem:s5] =	stream.linear.scatter [tilespmem:s14], [sflag:$0x3], $0x2000, $0x38;
	[tilespmem:$0x10F00] =	vst v63  }
0x1a: {  	_ =	swait.ge [sflag:s15], $0x2000  }
0x1b: {  	[sflag:s15] =	ssyncset.done $0x0  }
0x1c: {  	[sflag:s15] =	ssyncadd.s32 $0xFFFFE000  }
0x1d: {  	[spmem:s6] =	stream.linear.scatter [tilespmem:s14], [sflag:$0x3], $0x2000, $0x38;
	[tilespmem:$0x10F00] =	vst v63  }
0x1e: {  	_ =	swait.ge [sflag:s15], $0x2000  }
0x1f: {  	[sflag:s15] =	ssyncset.done $0x0  }
0x20: {  	[sflag:s15] =	ssyncadd.s32 $0xFFFFE000  }
0x21: {  	[spmem:s7] =	stream.linear.scatter [tilespmem:s14], [sflag:$0x3], $0x2000, $0x38;
	[tilespmem:$0x10F00] =	vst v63  }
0x22: {  	_ =	swait.ge [sflag:s15], $0x2000  }
0x23: {  	[sflag:s15] =	ssyncset.done $0x0  }
0x24: {  	[sflag:s15] =	ssyncadd.s32 $0xFFFFE000  }
0x25: {  	[spmem:s8] =	stream.linear.scatter [tilespmem:s14], [sflag:$0x3], $0x2000, $0x38;
	[tilespmem:$0x10F00] =	vst v63  }
0x26: {  	_ =	swait.ge [sflag:s15], $0x2000  }
0x27: {  	[sflag:s15] =	ssyncset.done $0x0  }
0x28: {  	[sflag:s15] =	ssyncadd.s32 $0xFFFFE000  }
0x29: {  	[spmem:s9] =	stream.linear.scatter [tilespmem:s14], [sflag:$0x3], $0x2000, $0x38;
	[tilespmem:$0x10F00] =	vst v63  }
0x2a: {  	_ =	swait.ge [sflag:s15], $0x2000  }
0x2b: {  	[sflag:s15] =	ssyncset.done $0x0  }
0x2c: {  	s29 =	simm.s32 $0x0;
	[sflag:s15] =	ssyncadd.s32 $0xFFFFE000  }
0x2d: {  	[tilespmem:s29], [sflag:$0x3] =	stream.linear.gather [hbm4b:s10+s29], $0x2780, $0x38;
	[tilespmem:$0x10F00] =	vst v63  }
0x2e: {  	_ =	swait.ge [sflag:s15], $0x2780  }
0x2f: {  	[sflag:s15] =	ssyncset.done $0x0  }
0x30: {  	[sflag:s15] =	ssyncadd.s32 $0xFFFFD880  }
0x31: {  	[tilespmem:s16], [sflag:$0x3] =	stream.linear.gather [hbm4b:s11+s29], $0x2780, $0x38;
	[tilespmem:$0x10F00] =	vst v63  }
0x32: {  	_ =	swait.ge [sflag:s15], $0x2780  }
0x33: {  	[sflag:s15] =	ssyncset.done $0x0  }
0x34: {  	[sflag:s15] =	ssyncadd.s32 $0xFFFFD880  }
0x35: {  	s30 =	simm.s32 $0x0;
	[bflag:$0x0] =	sbarrier.arrive $0xFFFF  }
0x36: {  	[tilespmem:s14], [sflag:$0x1] =	stream.indirect.gather [hbm4b:s4+s17], $0x40, s30, s17, $0xb8;
	[tilespmem:$0x10F00] =	vst v63  }
0x37: {  	_ =	swait.ge [sflag:s18], $0x2000  }
0x38: {  	[sflag:s18] =	ssyncset.done $0x0  }
0x39: {  	s31 =	simm.s32 $0x2780;
	[sflag:s18] =	ssyncadd.s32 $0xFFFFE000  }
0x3a: {  	[spmem:s2] =	stream.indirect.scatter.add.f32 [tilespmem:s14], [sflag:$0x2], $0x40, s31, s17, $0xb8;
	[tilespmem:$0x10F00] =	vst v63  }
0x3b: {  	_ =	swait.ge [sflag:s19], $0x2000  }
0x3c: {  	s20 =	simm.s32 $0x200;
	s21 =	simm.s32 $0x400;
	[sflag:s19] =	ssyncset.done $0x0  }
.LBB2_4:
0x3d: {  	s22 =	sshra.s32 s20, $0x2  }
0x3e: {  	[sflag:s19] =	ssyncadd.s32 $0xFFFFE000;
	s20 =	smov.u32 s21;
	s23 =	sadd.s32 $0x200, s21  }
0x3f: {  	[tilespmem:s14], [sflag:$0x1] =	stream.indirect.gather [hbm4b:s4+s17], $0x40, s22, s17, $0xb8;
	[tilespmem:$0x10F00] =	vst v63  }
0x40: {  	p0 =	sne.s32 s21, $0x9C00;
	_ =	swait.ge [sflag:s18], $0x2000  }
.Ltmp1:
0x41: {  	[sflag:s18] =	ssyncset.done $0x0;
	(pc) =	sbr.rel @p0 .LBB2_4-.Ltmp1, $4  }
0x42: {  	s21 =	sadd.s32 $0x2780, s22;
	[sflag:s18] =	ssyncadd.s32 $0xFFFFE000  }
0x43: {  	[spmem:s2] =	stream.indirect.scatter.add.f32 [tilespmem:s14], [sflag:$0x2], $0x40, s21, s17, $0xb8;
	[tilespmem:$0x10F00] =	vst v63  }
0x44: {  	_ =	swait.ge [sflag:s19], $0x2000  }
0x45: {  	s21 =	smov.u32 s23;
	[sflag:s19] =	ssyncset.done $0x0  }
0x46: {  	s20 =	sshra.s32 s20, $0x2;
	[sflag:s19] =	ssyncadd.s32 $0xFFFFE000  }
0x47: {  	[tilespmem:s14], [sflag:$0x1] =	stream.indirect.gather [hbm4b:s4+s17], $0x40, s20, s17, $0xb8;
	[tilespmem:$0x10F00] =	vst v63  }
0x48: {  	_ =	swait.ge [sflag:s18], $0x2000  }
0x49: {  	[sflag:s18] =	ssyncset.done $0x0  }
0x4a: {  	s20 =	sadd.s32 $0x2780, s20;
	[sflag:s18] =	ssyncadd.s32 $0xFFFFE000  }
0x4b: {  	[spmem:s2] =	stream.indirect.scatter.add.f32 [tilespmem:s14], [sflag:$0x2], $0x40, s20, s17, $0xb8;
	[tilespmem:$0x10F00] =	vst v63  }
0x4c: {  	_ =	swait.ge [sflag:s19], $0x2000  }
0x4d: {  	s31 =	sshll.u32 s0, $0x6;
	s3 =	sadd.s32 $0x1, s3;
	[sflag:s19] =	ssyncset.done $0x0  }
0x4e: {  	s21 =	sshrl.u32 s5, $0x3;
	p0 =	sne.s32 s3, s13;
	[sflag:s19] =	ssyncadd.s32 $0xFFFFE000  }
.Ltmp2:
0x4f: {  	s20 =	sor.u32 $0x1C03, s31;
	[bflag:$0x0] =	sbarrier.arrive $0xFFFF;
	(pc) =	sbr.rel @p0 .LBB2_1-.Ltmp2, $4  }
0x50: {  	[hbm:s12], [sflag:s20] =	dma.local [spmem:s21], $0x1400  }
0x51: {  	_ =	swait.ge [sflag:s15], $0x1400  }
0x52: {  	[sflag:s15] =	ssyncset.done $0x0  }
0x53: {  	[sflag:s15] =	ssyncadd.s32 $0xFFFFEC00  }
0x54: {  	_ =	sfence.sel $0x180000  }
0x55: {  	[bflag:$0x0] =	sbarrier.arrive $0xFFFF  }
0x56: {  	p0 =	sne.s32 s0, $0x0;
	_ =	strace $0x9000004A  }
0x57: {  	s0 =	sadd.s32 @!p0 $0x100000, s1;
	[bflag:$0x2] =	sbarrier.arrive $0xFFFF  }
0x58: {  	[sflag:s0] =	ssyncadd.tile.s32 @!p0 $0x1;
	_ =	shalt  }
.Lfunc_end2:
_tile_overlayer_lowered:
.L_overlay_start_2:
0x59: {  	(tag) =	ssettag $0x2  }
0x5a: {  	s0 =	rddreg [dreg:$0x0];
	s2 =	stileid.u32  }
0x5b: {  	s1 =	rddreg [dreg:$0x1];
	p0 =	sne.s32 s2, $0x0  }
0x5c: {  	s3 =	rddreg [dreg:$0x2];
	[bflag:$0x3] =	sbarrier.arrive $0xFFFF;
	s2 =	simm.s32 @!p0 $0x1C03  }
0x5d: {  	[timem:s3], [sflag:s2] =	dma.local @!p0 [hbm:s0], s1  }
0x5e: {  	s0 =	simm.s32 @!p0 $0x3  }
0x5f: {  	_ =	swait.ge @!p0 [sflag:s0], s1  }
0x60: {  	s1 =	ssub.s32 @!p0 $0x0, s1;
	[sflag:s0] =	ssyncset.done @!p0 $0x0  }
0x61: {  	[sflag:s0] =	ssyncadd.s32 @!p0 s1  }
0x62: {  	[bflag:$0x3] =	sbarrier.arrive $0xFFFF  }
0x63: {  	_ =	shalt  }

// kernel: kernel.17.cloned.1.call-start
scs
__scs_entry_jumppad:
0x0: {  	(pc) =	sbr.rel $0x88, $3  }
0x1: {  	(tag) =	ssettag $0x0;
	lr =	simm.s32 $0x1  }
0x2: {  	[smem:$0x3F91] =	sst lr;
	_ =	strace $0xD0000000  }
0x3: {  	_ = 	snop  }
0x4: {  	_ = 	snop  }
0x5: {  	_ = 	snop  }
0x6: {  	_ = 	snop  }
0x7: {  	_ = 	snop  }
__scs_overlays_trampoline_lowered:
0x8: {  	[smem:$0x3FA0] =	sst s0  }
0x9: {  	[smem:$0x3FA1] =	sst s1  }
0xa: {  	[smem:$0x3FA2] =	sst s2  }
0xb: {  	[smem:$0x3FA3] =	sst s3  }
0xc: {  	[smem:$0x3FA4] =	sst s4  }
0xd: {  	[smem:$0x3FA5] =	sst s5  }
0xe: {  	[smem:$0x3FA6] =	sst s6  }
0xf: {  	[smem:$0x3FA7] =	sst s7  }
0x10: {  	[smem:$0x3FA8] =	sst s8  }
0x11: {  	[smem:$0x3FA9] =	sst s9;
	s0 =	simm.s32 @!p0 $0x0  }
0x12: {  	s1 =	sld [smem:$0x3F8F];
	s0 =	simm.s32 @p0 $0x1  }
0x13: {  	[smem:$0x3FAA] =	sst s0;
	s0 =	simm.s32 @!p1 $0x0  }
0x14: {  	s2 =	sld [smem:$0x3F8E];
	s0 =	simm.s32 @p1 $0x1  }
0x15: {  	[smem:$0x3FAB] =	sst s0;
	s0 =	simm.s32 @!p2 $0x0  }
0x16: {  	s3 =	sld [smem:$0x3FDB];
	s0 =	simm.s32 @p2 $0x1  }
0x17: {  	s4 =	simm.s32 $0x1BF5;
	[smem:$0x3FAD] =	sst s0  }
0x18: {  	s0 =	sld [smem:$0x3F90];
	_ =	swait.ge [sflag:s4], $0x0  }
0x19: {  	s7 =	sld [smem:$0x3F91]  }
0x1a: {  	s8 =	sadd.s32 $0xFFFFE003, lr  }
0x1b: {  	s9 =	sadd.s32 $0xFFFFFEF7, lr;
	s5 =	simm.s32 $0xFFFFFFFF;
	p2 =	slt.u32 s8, $0xFFFFF086  }
0x1c: {  	p1 =	slt.u32 s9, $0xF7A;
	s5 =	simm.s32 @!p2 $0x0  }
0x1d: {  	s5 =	simm.s32 @p1 $0x1;
	p0 =	seq.s32 s7, s2  }
0x1e: {  	s7 =	smul.u32 @!p0 $0xF7A, s2;
	p2 =	seq.s32 @!p0 s5, $0x0  }
0x1f: {  	s9 =	smul.u32 $0xF7A, s1;
	s8 =	simm.s32 @!p0 $0x1BF5;
	p2 =	por !p2, p0  }
0x20: {  	[sflag:s8] =	ssyncset.s32 @!p0 $0xFFFFF086;
	s6 =	sadd.s32 @!p0 s3, s7;
	s7 =	simm.s32 @!p0 $0x108  }
0x21: {  	s3 =	sadd.s32 s3, s9;
	s6 =	sadd.s32 @!p0 $0x88, s6;
	s7 =	simm.s32 @p2 $0x1082  }
0x22: {  	[simem:s7], [sflag:s8] =	dma.local @!p0 [hbm:s6], $0xF7A  }
0x23: {  	s9 =	sor.u32 $0xD0000000, s2;
	s6 =	simm.s32 $0x108;
	_ =	swait.ge @!p0 [sflag:s8], $0x0  }
0x24: {  	s3 =	sadd.s32 $0x88, s3;
	s6 =	simm.s32 @!p1 $0x1082;
	[sflag:s4] =	ssyncset.s32 $0xFFFFF086  }
0x25: {  	[simem:s6], [sflag:s4] =	dma.local [hbm:s3], $0xF7A  }
0x26: {  	[smem:$0x3F91] =	sst s1;
	(tag) =	ssettag s2;
	_ =	strace s9  }
0x27: {  	s1 =	sld [smem:$0x3FA1]  }
0x28: {  	s2 =	sld [smem:$0x3FA2]  }
0x29: {  	s4 =	sld [smem:$0x3FA4]  }
0x2a: {  	p0 =	seq.s32 s5, $0x0;
	s5 =	sld [smem:$0x3FA5]  }
0x2b: {  	s6 =	sld [smem:$0x3FA6]  }
0x2c: {  	s7 =	sld [smem:$0x3FA7]  }
0x2d: {  	s3 =	simm.s32 $0x108;
	s8 =	sld [smem:$0x3FA8]  }
0x2e: {  	s3 =	simm.s32 @!p0 $0x1082;
	s9 =	sld [smem:$0x3FA9]  }
0x2f: {  	lr =	sadd.s32 s0, s3;
	s0 =	sld [smem:$0x3FA0]  }
0x30: {  	s3 =	sld [smem:$0x3FA3]  }
0x31: {  	[smem:$0x3FAC] =	sst s10  }
0x32: {  	s10 =	sld [smem:$0x3FAA];
	_ =	sdelay $0x3  }
0x33: {  	p0 =	seq.s32 s10, $0x1;
	s10 =	sld [smem:$0x3FAC];
	_ =	sdelay $0x3  }
0x34: {  	[smem:$0x3FAC] =	sst s10  }
0x35: {  	s10 =	sld [smem:$0x3FAB];
	_ =	sdelay $0x3  }
0x36: {  	p1 =	seq.s32 s10, $0x1;
	s10 =	sld [smem:$0x3FAC];
	_ =	sdelay $0x3  }
0x37: {  	[smem:$0x3FAC] =	sst s10  }
0x38: {  	s10 =	sld [smem:$0x3FAD]  }
0x39: {  	_ = 	snop;
	(pc) =	sbr.ind lr, $3  }
0x3a: {  	_ = 	snop  }
0x3b: {  	_ = 	snop  }
0x3c: {  	p2 =	seq.s32 s10, $0x1;
	s10 =	sld [smem:$0x3FAC]  }
0x3d: {  	_ =	shalt  }
0x3e: {  	_ =	shalt  }
0x3f: {  	_ =	shalt  }
0x40: {  	_ =	shalt  }
0x41: {  	_ =	shalt  }
0x42: {  	_ =	shalt  }
0x43: {  	_ =	shalt  }
0x44: {  	_ =	shalt  }
0x45: {  	_ =	shalt  }
0x46: {  	_ =	shalt  }
0x47: {  	_ =	shalt  }
0x48: {  	_ =	shalt  }
0x49: {  	_ =	shalt  }
0x4a: {  	_ =	shalt  }
0x4b: {  	_ =	shalt  }
0x4c: {  	_ =	shalt  }
0x4d: {  	_ =	shalt  }
0x4e: {  	_ =	shalt  }
0x4f: {  	_ =	shalt  }
0x50: {  	_ =	shalt  }
0x51: {  	_ =	shalt  }
0x52: {  	_ =	shalt  }
0x53: {  	_ =	shalt  }
0x54: {  	_ =	shalt  }
0x55: {  	_ =	shalt  }
0x56: {  	_ =	shalt  }
0x57: {  	_ =	shalt  }
0x58: {  	_ =	shalt  }
0x59: {  	_ =	shalt  }
0x5a: {  	_ =	shalt  }
0x5b: {  	_ =	shalt  }
0x5c: {  	_ =	shalt  }
0x5d: {  	_ =	shalt  }
0x5e: {  	_ =	shalt  }
0x5f: {  	_ =	shalt  }
0x60: {  	_ =	shalt  }
0x61: {  	_ =	shalt  }
0x62: {  	_ =	shalt  }
0x63: {  	_ =	shalt  }
0x64: {  	_ =	shalt  }
0x65: {  	_ =	shalt  }
0x66: {  	_ =	shalt  }
0x67: {  	_ =	shalt  }
0x68: {  	_ =	shalt  }
0x69: {  	_ =	shalt  }
0x6a: {  	_ =	shalt  }
0x6b: {  	_ =	shalt  }
0x6c: {  	_ =	shalt  }
0x6d: {  	_ =	shalt  }
0x6e: {  	_ =	shalt  }
0x6f: {  	_ =	shalt  }
0x70: {  	_ =	shalt  }
0x71: {  	_ =	shalt  }
0x72: {  	_ =	shalt  }
0x73: {  	_ =	shalt  }
0x74: {  	_ =	shalt  }
0x75: {  	_ =	shalt  }
0x76: {  	_ =	shalt  }
0x77: {  	_ =	shalt  }
0x78: {  	_ =	shalt  }
0x79: {  	_ =	shalt  }
0x7a: {  	_ =	shalt  }
0x7b: {  	_ =	shalt  }
0x7c: {  	_ =	shalt  }
0x7d: {  	_ =	shalt  }
0x7e: {  	_ =	shalt  }
0x7f: {  	_ =	shalt  }
0x80: {  	_ =	shalt  }
0x81: {  	_ =	shalt  }
0x82: {  	_ =	shalt  }
0x83: {  	_ =	shalt  }
0x84: {  	_ =	shalt  }
0x85: {  	_ =	shalt  }
0x86: {  	_ =	shalt  }
0x87: {  	_ =	shalt  }
.Lfunc_end0:
.L_simem_size_0:
called_computation.2_lowered:
.L_overlay_start_0:
0x88: {  	s2 =	sld [smem:$0x3FD9]  }
0x89: {  	s3 =	sld [smem:$0x3FFE];
	_ =	sdelay $0x1  }
0x8a: {  	s1 =	srdreg.scid  }
0x8b: {  	s0 =	sand.u32 $0x1, s1  }
0x8c: {  	s16 =	sshll.u32 s0, $0xA;
	s2 =	sadd.s32 s3, s2  }
0x8d: {  	s2 =	sadd.s32 s2, s16  }
0x8e: {  	[smem:$0x3FB8] =	sst s2  }
0x8f: {  	_ = 	snop  }
0x90: {  	(tm) =	ssettm $0x1  }
0x91: {  	s17 =	sld [smem:$0x3FFB];
	_ =	sdelay $0x3  }
0x92: {  	_ =	strace s17  }
0x93: {  	s2 =	sld [smem:$0x3FFC];
	_ =	sdelay $0x3  }
0x94: {  	_ =	strace s2  }
0x95: {  	s2 =	sld [smem:$0x3FFD];
	_ =	sdelay $0x3  }
0x96: {  	_ =	strace s2  }
0x97: {  	_ =	strace $0x8FFFFFFF  }
0x98: {  	s18 =	sld [smem:$0x3FDB];
	_ =	sdelay $0x1  }
0x99: {  	s19 =	simm.s32 $_scs_section_size  }
0x9a: {  	s4 =	simm.s32 $_size__tile_overlayer_lowered;
	s5 =	simm.s32 $_tile_overlayer_lowered  }
0x9b: {  	s22 =	simm.s32 $0x1BFF;
	s21 =	sshll.u32 s5, $0x1;
	s2 =	sadd.s32 s19, s18  }
0x9c: {  	s6 =	simm.s32 $0x0;
	s20 =	sshll.u32 s4, $0x1;
	s4 =	sadd.s32 s21, s2  }
0x9d: {  	[timem:s6], [sflag:s22] =	dma.local [hbm:s4], s20  }
0x9e: {  	_ =	swait.ge [sflag:s22], s20  }
0x9f: {  	s3 =	ssub.s32 $0x0, s20;
	[sflag:s22] =	ssyncset.done $0x0  }
0xa0: {  	[sflag:s22] =	ssyncadd.s32 s3;
	_ =	sdelay $0x1  }
0xa1: {  	s23 =	simm.s32 $0x1B8B  }
0xa2: {  	_ =	swait.ge [sflag:s23], $0x1  }
0xa3: {  	[sflag:s23] =	ssyncset.done $0x0  }
0xa4: {  	s25 =	simm.s32 $0x1B8E;
	s24 =	sld [smem:$0x3FFE];
	[sflag:s23] =	ssyncadd.s32 $0xFFFFFFFF  }
0xa5: {  	s26 =	simm.s32 $execute0_lowered;
	[smem:$0x3FD2] =	sst s25  }
0xa6: {  	s4 =	sshll.u32 s26, $0x1;
	_ =	strace $0x8000004C;
	[dreg:$0x1] =	wrdreg $0xFFFFFFFF  }
0xa7: {  	s28 =	simm.s32 $_size_execute0_lowered;
	s2 =	sadd.s32 s2, s4;
	[dreg:$0x0] =	wrdreg $0x0  }
0xa8: {  	s4 =	sshll.u32 s28, $0x1;
	[dreg:$0x2] =	wrdreg s2  }
0xa9: {  	[dreg:$0x3] =	wrdreg s4  }
0xaa: {  	[dreg:$0x4] =	wrdreg $0xC0  }
0xab: {  	_ =	task [dreg:s6], $0x5FFFF  }
0xac: {  	[dreg:$0x1] =	wrdreg $0xFFFFFFFF  }
0xad: {  	[dreg:$0x0] =	wrdreg $0x60  }
0xae: {  	[dreg:$0x2] =	wrdreg s24  }
0xaf: {  	[dreg:$0x3] =	wrdreg $0x6F000  }
0xb0: {  	[dreg:$0x4] =	wrdreg $0x9  }
0xb1: {  	_ =	task.clear_ibuf [dreg:s6], $0x5FFFF;
	_ =	strace $0x9000004C  }
0xb2: {  	s29 =	simm.s32 $0x9;
	_ =	strace $0x8000004E  }
0xb3: {  	_ =	swait.ge [sflag:s29], $0x1  }
0xb4: {  	[sflag:s29] =	ssyncadd.s32 $0xFFFFFFFF  }
0xb5: {  	_ =	strace $0x9000004E  }
0xb6: {  	_ =	sfence  }
0xb7: {  	s30 =	sld [smem:$0x0];
	_ =	sdelay $0x2  }
0xb8: {  	s31 =	sshll.u32 s1, $0xD;
	s1 =	sshrl.u32 s1, $0x2  }
0xb9: {  	s3 =	sand.u32 $0x4000, s31;
	s1 =	sadd.s32 s1, s30  }
0xba: {  	s0 =	sor.u32 s3, s0;
	s1 =	sshll.u32 s1, $0x11  }
0xbb: {  	s0 =	sor.u32 s1, s0  }
0xbc: {  	s0 =	sadd.s32 $0x8F2B, s0  }
0xbd: {  	[sflag:s0] =	ssyncadd.remote.s32 $0x1  }
0xbe: {  	_ =	sfence.sel $0xFFFF  }
0xbf: {  	[dreg:$0x0] =	wrdreg $0xFFFFFFFF;
	(pc) =	sbr.abs _section_cstart, $3  }
0xc0: {  	[dreg:$0x1] =	wrdreg $0xFFFFFFFF  }
0xc1: {  	_ =	task.clear_ibuf [dreg:s6], $0x2FFFF;
	_ =	strace $0x9FFFFFFF  }
0xc2: {  	(tm) =	ssettm $0x7FFFFFFF  }
0xc3: {  	_ =	shalt  }
tec
execute0_lowered:
.L_overlay_start_1:
0x0: {  	(tag) =	ssettag $0x1  }
0x1: {  	s6 =	rddreg [dreg:$0x0]  }
0x2: {  	s0 =	srdreg.scid;
	s2 =	rddreg [dreg:$0x1];
	s3 =	simm.s32 $0x0  }
0x3: {  	s14 =	simm.s32 $0x4F00;
	s15 =	simm.s32 $0x3;
	s16 =	simm.s32 $0x2780  }
0x4: {  	s17 =	simm.s32 $0x80;
	s5 =	sand.u32 $0x1, s0;
	s0 =	stileid.u32  }
0x5: {  	s18 =	simm.s32 $0x1;
	s19 =	simm.s32 $0x2;
	s8 =	smul.u32 $0xA000, s0  }
0x6: {  	[smem:$0x7FF] =	sst s3;
	s1 =	sshll.u32 s5, $0x4;
	s9 =	smul.u32 $0xA0000, s5  }
0x7: {  	s10 =	smul.u32 $0x28000, s0;
	s5 =	ssub.s32 $0x2, s5;
	s1 =	sor.u32 s0, s1  }
0x8: {  	s4 =	sadd.s32 $0x4A600, s6;
	s30 =	sshrl.u32 s5, $0x1;
	s7 =	smul.u32 $0x4F0, s1  }
0x9: {  	s1 =	rddreg [dreg:$0x2];
	_ =	strace $0x8000004D;
	s29 =	sadd.s32 s8, s9  }
0xa: {  	s10 =	sshrl.u32 s10, $0x2;
	s13 =	ssub.s32 s5, s30;
	s5 =	sadd.s32 s8, s2  }
0xb: {  	s31 =	sadd.s32 s10, s2;
	s13 =	smax.u32 s13, $0x1;
	s11 =	sadd.s32 s7, s6  }
0xc: {  	s7 =	sshrl.u32 s29, $0x3;
	s8 =	sadd.s32 $0x6000, s31;
	s9 =	sadd.s32 $0x8000, s31  }
0xd: {  	s12 =	sadd.s32 s7, s6;
	s6 =	sadd.s32 $0x2000, s31;
	s7 =	sadd.s32 $0x4000, s31  }
0xe: {  	v0 =	vimm.f32 $0.0e+00;
	s10 =	sadd.s32 $0x18800, s11;
	s11 =	sadd.s32 $0x4000, s11;
	s12 =	sadd.s32 $0x5E600, s12  }
.LBB2_1:
0xf: {  	s21 =	simm.s32 $0x100;
	s20 =	simm.s32 $0x0  }
.LBB2_2:
0x10: {  	p0 =	sne.s32 s21, $0x7F00;
	[tilespmem:s20+$0x4F30] =	vst v0;
	s22 =	smov.u32 s21;
	s21 =	sadd.s32 $0x100, s21  }
.Ltmp0:
0x11: {  	[tilespmem:s20+$0x4F20] =	vst v0;
	(pc) =	sbr.rel @p0 .LBB2_2-.Ltmp0, $3  }
0x12: {  	[tilespmem:s20+$0x4F00] =	vst v0  }
0x13: {  	[tilespmem:s20+$0x4F10] =	vst v0;
	_ =	sdelay $0x1  }
0x14: {  	s20 =	sshra.s32 s22, $0x2  }
0x15: {  	[tilespmem:s20+$0x4F30] =	vst v0  }
0x16: {  	[tilespmem:s20+$0x4F20] =	vst v0  }
0x17: {  	[tilespmem:s20+$0x4F00] =	vst v0  }
0x18: {  	[tilespmem:s20+$0x4F10] =	vst v0  }
0x19: {  	[spmem:s5] =	stream.linear.scatter [tilespmem:s14], [sflag:$0x3], $0x2000, $0x38;
	[tilespmem:$0x10F00] =	vst v63  }
0x1a: {  	_ =	swait.ge [sflag:s15], $0x2000  }
0x1b: {  	[sflag:s15] =	ssyncset.done $0x0  }
0x1c: {  	[sflag:s15] =	ssyncadd.s32 $0xFFFFE000  }
0x1d: {  	[spmem:s6] =	stream.linear.scatter [tilespmem:s14], [sflag:$0x3], $0x2000, $0x38;
	[tilespmem:$0x10F00] =	vst v63  }
0x1e: {  	_ =	swait.ge [sflag:s15], $0x2000  }
0x1f: {  	[sflag:s15] =	ssyncset.done $0x0  }
0x20: {  	[sflag:s15] =	ssyncadd.s32 $0xFFFFE000  }
0x21: {  	[spmem:s7] =	stream.linear.scatter [tilespmem:s14], [sflag:$0x3], $0x2000, $0x38;
	[tilespmem:$0x10F00] =	vst v63  }
0x22: {  	_ =	swait.ge [sflag:s15], $0x2000  }
0x23: {  	[sflag:s15] =	ssyncset.done $0x0  }
0x24: {  	[sflag:s15] =	ssyncadd.s32 $0xFFFFE000  }
0x25: {  	[spmem:s8] =	stream.linear.scatter [tilespmem:s14], [sflag:$0x3], $0x2000, $0x38;
	[tilespmem:$0x10F00] =	vst v63  }
0x26: {  	_ =	swait.ge [sflag:s15], $0x2000  }
0x27: {  	[sflag:s15] =	ssyncset.done $0x0  }
0x28: {  	[sflag:s15] =	ssyncadd.s32 $0xFFFFE000  }
0x29: {  	[spmem:s9] =	stream.linear.scatter [tilespmem:s14], [sflag:$0x3], $0x2000, $0x38;
	[tilespmem:$0x10F00] =	vst v63  }
0x2a: {  	_ =	swait.ge [sflag:s15], $0x2000  }
0x2b: {  	[sflag:s15] =	ssyncset.done $0x0  }
0x2c: {  	s29 =	simm.s32 $0x0;
	[sflag:s15] =	ssyncadd.s32 $0xFFFFE000  }
0x2d: {  	[tilespmem:s29], [sflag:$0x3] =	stream.linear.gather [hbm4b:s10+s29], $0x2780, $0x38;
	[tilespmem:$0x10F00] =	vst v63  }
0x2e: {  	_ =	swait.ge [sflag:s15], $0x2780  }
0x2f: {  	[sflag:s15] =	ssyncset.done $0x0  }
0x30: {  	[sflag:s15] =	ssyncadd.s32 $0xFFFFD880  }
0x31: {  	[tilespmem:s16], [sflag:$0x3] =	stream.linear.gather [hbm4b:s11+s29], $0x2780, $0x38;
	[tilespmem:$0x10F00] =	vst v63  }
0x32: {  	_ =	swait.ge [sflag:s15], $0x2780  }
0x33: {  	[sflag:s15] =	ssyncset.done $0x0  }
0x34: {  	[sflag:s15] =	ssyncadd.s32 $0xFFFFD880  }
0x35: {  	s30 =	simm.s32 $0x0;
	[bflag:$0x0] =	sbarrier.arrive $0xFFFF  }
0x36: {  	[tilespmem:s14], [sflag:$0x1] =	stream.indirect.gather [hbm4b:s4+s17], $0x40, s30, s17, $0xb8;
	[tilespmem:$0x10F00] =	vst v63  }
0x37: {  	_ =	swait.ge [sflag:s18], $0x2000  }
0x38: {  	[sflag:s18] =	ssyncset.done $0x0  }
0x39: {  	s31 =	simm.s32 $0x2780;
	[sflag:s18] =	ssyncadd.s32 $0xFFFFE000  }
0x3a: {  	[spmem:s2] =	stream.indirect.scatter.add.f32 [tilespmem:s14], [sflag:$0x2], $0x40, s31, s17, $0xb8;
	[tilespmem:$0x10F00] =	vst v63  }
0x3b: {  	_ =	swait.ge [sflag:s19], $0x2000  }
0x3c: {  	s20 =	simm.s32 $0x200;
	s21 =	simm.s32 $0x400;
	[sflag:s19] =	ssyncset.done $0x0  }
.LBB2_4:
0x3d: {  	s22 =	sshra.s32 s20, $0x2  }
0x3e: {  	[sflag:s19] =	ssyncadd.s32 $0xFFFFE000;
	s20 =	smov.u32 s21;
	s23 =	sadd.s32 $0x200, s21  }
0x3f: {  	[tilespmem:s14], [sflag:$0x1] =	stream.indirect.gather [hbm4b:s4+s17], $0x40, s22, s17, $0xb8;
	[tilespmem:$0x10F00] =	vst v63  }
0x40: {  	p0 =	sne.s32 s21, $0x9C00;
	_ =	swait.ge [sflag:s18], $0x2000  }
.Ltmp1:
0x41: {  	[sflag:s18] =	ssyncset.done $0x0;
	(pc) =	sbr.rel @p0 .LBB2_4-.Ltmp1, $4  }
0x42: {  	s21 =	sadd.s32 $0x2780, s22;
	[sflag:s18] =	ssyncadd.s32 $0xFFFFE000  }
0x43: {  	[spmem:s2] =	stream.indirect.scatter.add.f32 [tilespmem:s14], [sflag:$0x2], $0x40, s21, s17, $0xb8;
	[tilespmem:$0x10F00] =	vst v63  }
0x44: {  	_ =	swait.ge [sflag:s19], $0x2000  }
0x45: {  	s21 =	smov.u32 s23;
	[sflag:s19] =	ssyncset.done $0x0  }
0x46: {  	s20 =	sshra.s32 s20, $0x2;
	[sflag:s19] =	ssyncadd.s32 $0xFFFFE000  }
0x47: {  	[tilespmem:s14], [sflag:$0x1] =	stream.indirect.gather [hbm4b:s4+s17], $0x40, s20, s17, $0xb8;
	[tilespmem:$0x10F00] =	vst v63  }
0x48: {  	_ =	swait.ge [sflag:s18], $0x2000  }
0x49: {  	[sflag:s18] =	ssyncset.done $0x0  }
0x4a: {  	s20 =	sadd.s32 $0x2780, s20;
	[sflag:s18] =	ssyncadd.s32 $0xFFFFE000  }
0x4b: {  	[spmem:s2] =	stream.indirect.scatter.add.f32 [tilespmem:s14], [sflag:$0x2], $0x40, s20, s17, $0xb8;
	[tilespmem:$0x10F00] =	vst v63  }
0x4c: {  	_ =	swait.ge [sflag:s19], $0x2000  }
0x4d: {  	s31 =	sshll.u32 s0, $0x6;
	s3 =	sadd.s32 $0x1, s3;
	[sflag:s19] =	ssyncset.done $0x0  }
0x4e: {  	s21 =	sshrl.u32 s5, $0x3;
	p0 =	sne.s32 s3, s13;
	[sflag:s19] =	ssyncadd.s32 $0xFFFFE000  }
.Ltmp2:
0x4f: {  	s20 =	sor.u32 $0x1C03, s31;
	[bflag:$0x0] =	sbarrier.arrive $0xFFFF;
	(pc) =	sbr.rel @p0 .LBB2_1-.Ltmp2, $4  }
0x50: {  	[hbm:s12], [sflag:s20] =	dma.local [spmem:s21], $0x1400  }
0x51: {  	_ =	swait.ge [sflag:s15], $0x1400  }
0x52: {  	[sflag:s15] =	ssyncset.done $0x0  }
0x53: {  	[sflag:s15] =	ssyncadd.s32 $0xFFFFEC00  }
0x54: {  	_ =	sfence.sel $0x180000  }
0x55: {  	[bflag:$0x0] =	sbarrier.arrive $0xFFFF  }
0x56: {  	p0 =	sne.s32 s0, $0x0;
	_ =	strace $0x9000004D  }
0x57: {  	s0 =	sadd.s32 @!p0 $0x100000, s1;
	[bflag:$0x2] =	sbarrier.arrive $0xFFFF  }
0x58: {  	[sflag:s0] =	ssyncadd.tile.s32 @!p0 $0x1;
	_ =	shalt  }
.Lfunc_end2:
_tile_overlayer_lowered:
.L_overlay_start_2:
0x59: {  	(tag) =	ssettag $0x2  }
0x5a: {  	s0 =	rddreg [dreg:$0x0];
	s2 =	stileid.u32  }
0x5b: {  	s1 =	rddreg [dreg:$0x1];
	p0 =	sne.s32 s2, $0x0  }
0x5c: {  	s3 =	rddreg [dreg:$0x2];
	[bflag:$0x3] =	sbarrier.arrive $0xFFFF;
	s2 =	simm.s32 @!p0 $0x1C03  }
0x5d: {  	[timem:s3], [sflag:s2] =	dma.local @!p0 [hbm:s0], s1  }
0x5e: {  	s0 =	simm.s32 @!p0 $0x3  }
0x5f: {  	_ =	swait.ge @!p0 [sflag:s0], s1  }
0x60: {  	s1 =	ssub.s32 @!p0 $0x0, s1;
	[sflag:s0] =	ssyncset.done @!p0 $0x0  }
0x61: {  	[sflag:s0] =	ssyncadd.s32 @!p0 s1  }
0x62: {  	[bflag:$0x3] =	sbarrier.arrive $0xFFFF  }
0x63: {  	_ =	shalt  }

// kernel: kernel.20.cloned.1.call-start
scs
__scs_entry_jumppad:
0x0: {  	(pc) =	sbr.rel $0x88, $3  }
0x1: {  	(tag) =	ssettag $0x0;
	lr =	simm.s32 $0x1  }
0x2: {  	[smem:$0x3F91] =	sst lr;
	_ =	strace $0xD0000000  }
0x3: {  	_ = 	snop  }
0x4: {  	_ = 	snop  }
0x5: {  	_ = 	snop  }
0x6: {  	_ = 	snop  }
0x7: {  	_ = 	snop  }
__scs_overlays_trampoline_lowered:
0x8: {  	[smem:$0x3FA0] =	sst s0  }
0x9: {  	[smem:$0x3FA1] =	sst s1  }
0xa: {  	[smem:$0x3FA2] =	sst s2  }
0xb: {  	[smem:$0x3FA3] =	sst s3  }
0xc: {  	[smem:$0x3FA4] =	sst s4  }
0xd: {  	[smem:$0x3FA5] =	sst s5  }
0xe: {  	[smem:$0x3FA6] =	sst s6  }
0xf: {  	[smem:$0x3FA7] =	sst s7  }
0x10: {  	[smem:$0x3FA8] =	sst s8  }
0x11: {  	[smem:$0x3FA9] =	sst s9;
	s0 =	simm.s32 @!p0 $0x0  }
0x12: {  	s1 =	sld [smem:$0x3F8F];
	s0 =	simm.s32 @p0 $0x1  }
0x13: {  	[smem:$0x3FAA] =	sst s0;
	s0 =	simm.s32 @!p1 $0x0  }
0x14: {  	s2 =	sld [smem:$0x3F8E];
	s0 =	simm.s32 @p1 $0x1  }
0x15: {  	[smem:$0x3FAB] =	sst s0;
	s0 =	simm.s32 @!p2 $0x0  }
0x16: {  	s3 =	sld [smem:$0x3FDB];
	s0 =	simm.s32 @p2 $0x1  }
0x17: {  	s4 =	simm.s32 $0x1BF5;
	[smem:$0x3FAD] =	sst s0  }
0x18: {  	s0 =	sld [smem:$0x3F90];
	_ =	swait.ge [sflag:s4], $0x0  }
0x19: {  	s7 =	sld [smem:$0x3F91]  }
0x1a: {  	s8 =	sadd.s32 $0xFFFFE003, lr  }
0x1b: {  	s9 =	sadd.s32 $0xFFFFFEF7, lr;
	s5 =	simm.s32 $0xFFFFFFFF;
	p2 =	slt.u32 s8, $0xFFFFF086  }
0x1c: {  	p1 =	slt.u32 s9, $0xF7A;
	s5 =	simm.s32 @!p2 $0x0  }
0x1d: {  	s5 =	simm.s32 @p1 $0x1;
	p0 =	seq.s32 s7, s2  }
0x1e: {  	s7 =	smul.u32 @!p0 $0xF7A, s2;
	p2 =	seq.s32 @!p0 s5, $0x0  }
0x1f: {  	s9 =	smul.u32 $0xF7A, s1;
	s8 =	simm.s32 @!p0 $0x1BF5;
	p2 =	por !p2, p0  }
0x20: {  	[sflag:s8] =	ssyncset.s32 @!p0 $0xFFFFF086;
	s6 =	sadd.s32 @!p0 s3, s7;
	s7 =	simm.s32 @!p0 $0x108  }
0x21: {  	s3 =	sadd.s32 s3, s9;
	s6 =	sadd.s32 @!p0 $0x88, s6;
	s7 =	simm.s32 @p2 $0x1082  }
0x22: {  	[simem:s7], [sflag:s8] =	dma.local @!p0 [hbm:s6], $0xF7A  }
0x23: {  	s9 =	sor.u32 $0xD0000000, s2;
	s6 =	simm.s32 $0x108;
	_ =	swait.ge @!p0 [sflag:s8], $0x0  }
0x24: {  	s3 =	sadd.s32 $0x88, s3;
	s6 =	simm.s32 @!p1 $0x1082;
	[sflag:s4] =	ssyncset.s32 $0xFFFFF086  }
0x25: {  	[simem:s6], [sflag:s4] =	dma.local [hbm:s3], $0xF7A  }
0x26: {  	[smem:$0x3F91] =	sst s1;
	(tag) =	ssettag s2;
	_ =	strace s9  }
0x27: {  	s1 =	sld [smem:$0x3FA1]  }
0x28: {  	s2 =	sld [smem:$0x3FA2]  }
0x29: {  	s4 =	sld [smem:$0x3FA4]  }
0x2a: {  	p0 =	seq.s32 s5, $0x0;
	s5 =	sld [smem:$0x3FA5]  }
0x2b: {  	s6 =	sld [smem:$0x3FA6]  }
0x2c: {  	s7 =	sld [smem:$0x3FA7]  }
0x2d: {  	s3 =	simm.s32 $0x108;
	s8 =	sld [smem:$0x3FA8]  }
0x2e: {  	s3 =	simm.s32 @!p0 $0x1082;
	s9 =	sld [smem:$0x3FA9]  }
0x2f: {  	lr =	sadd.s32 s0, s3;
	s0 =	sld [smem:$0x3FA0]  }
0x30: {  	s3 =	sld [smem:$0x3FA3]  }
0x31: {  	[smem:$0x3FAC] =	sst s10  }
0x32: {  	s10 =	sld [smem:$0x3FAA];
	_ =	sdelay $0x3  }
0x33: {  	p0 =	seq.s32 s10, $0x1;
	s10 =	sld [smem:$0x3FAC];
	_ =	sdelay $0x3  }
0x34: {  	[smem:$0x3FAC] =	sst s10  }
0x35: {  	s10 =	sld [smem:$0x3FAB];
	_ =	sdelay $0x3  }
0x36: {  	p1 =	seq.s32 s10, $0x1;
	s10 =	sld [smem:$0x3FAC];
	_ =	sdelay $0x3  }
0x37: {  	[smem:$0x3FAC] =	sst s10  }
0x38: {  	s10 =	sld [smem:$0x3FAD]  }
0x39: {  	_ = 	snop;
	(pc) =	sbr.ind lr, $3  }
0x3a: {  	_ = 	snop  }
0x3b: {  	_ = 	snop  }
0x3c: {  	p2 =	seq.s32 s10, $0x1;
	s10 =	sld [smem:$0x3FAC]  }
0x3d: {  	_ =	shalt  }
0x3e: {  	_ =	shalt  }
0x3f: {  	_ =	shalt  }
0x40: {  	_ =	shalt  }
0x41: {  	_ =	shalt  }
0x42: {  	_ =	shalt  }
0x43: {  	_ =	shalt  }
0x44: {  	_ =	shalt  }
0x45: {  	_ =	shalt  }
0x46: {  	_ =	shalt  }
0x47: {  	_ =	shalt  }
0x48: {  	_ =	shalt  }
0x49: {  	_ =	shalt  }
0x4a: {  	_ =	shalt  }
0x4b: {  	_ =	shalt  }
0x4c: {  	_ =	shalt  }
0x4d: {  	_ =	shalt  }
0x4e: {  	_ =	shalt  }
0x4f: {  	_ =	shalt  }
0x50: {  	_ =	shalt  }
0x51: {  	_ =	shalt  }
0x52: {  	_ =	shalt  }
0x53: {  	_ =	shalt  }
0x54: {  	_ =	shalt  }
0x55: {  	_ =	shalt  }
0x56: {  	_ =	shalt  }
0x57: {  	_ =	shalt  }
0x58: {  	_ =	shalt  }
0x59: {  	_ =	shalt  }
0x5a: {  	_ =	shalt  }
0x5b: {  	_ =	shalt  }
0x5c: {  	_ =	shalt  }
0x5d: {  	_ =	shalt  }
0x5e: {  	_ =	shalt  }
0x5f: {  	_ =	shalt  }
0x60: {  	_ =	shalt  }
0x61: {  	_ =	shalt  }
0x62: {  	_ =	shalt  }
0x63: {  	_ =	shalt  }
0x64: {  	_ =	shalt  }
0x65: {  	_ =	shalt  }
0x66: {  	_ =	shalt  }
0x67: {  	_ =	shalt  }
0x68: {  	_ =	shalt  }
0x69: {  	_ =	shalt  }
0x6a: {  	_ =	shalt  }
0x6b: {  	_ =	shalt  }
0x6c: {  	_ =	shalt  }
0x6d: {  	_ =	shalt  }
0x6e: {  	_ =	shalt  }
0x6f: {  	_ =	shalt  }
0x70: {  	_ =	shalt  }
0x71: {  	_ =	shalt  }
0x72: {  	_ =	shalt  }
0x73: {  	_ =	shalt  }
0x74: {  	_ =	shalt  }
0x75: {  	_ =	shalt  }
0x76: {  	_ =	shalt  }
0x77: {  	_ =	shalt  }
0x78: {  	_ =	shalt  }
0x79: {  	_ =	shalt  }
0x7a: {  	_ =	shalt  }
0x7b: {  	_ =	shalt  }
0x7c: {  	_ =	shalt  }
0x7d: {  	_ =	shalt  }
0x7e: {  	_ =	shalt  }
0x7f: {  	_ =	shalt  }
0x80: {  	_ =	shalt  }
0x81: {  	_ =	shalt  }
0x82: {  	_ =	shalt  }
0x83: {  	_ =	shalt  }
0x84: {  	_ =	shalt  }
0x85: {  	_ =	shalt  }
0x86: {  	_ =	shalt  }
0x87: {  	_ =	shalt  }
.Lfunc_end0:
.L_simem_size_0:
called_computation.3_lowered:
.L_overlay_start_0:
0x88: {  	s2 =	sld [smem:$0x3FD9]  }
0x89: {  	s3 =	sld [smem:$0x3FFE];
	_ =	sdelay $0x1  }
0x8a: {  	s1 =	srdreg.scid  }
0x8b: {  	s0 =	sand.u32 $0x1, s1  }
0x8c: {  	s16 =	sshll.u32 s0, $0xA;
	s2 =	sadd.s32 s3, s2  }
0x8d: {  	s2 =	sadd.s32 s2, s16  }
0x8e: {  	[smem:$0x3FB8] =	sst s2  }
0x8f: {  	_ = 	snop  }
0x90: {  	(tm) =	ssettm $0x1  }
0x91: {  	s17 =	sld [smem:$0x3FFB];
	_ =	sdelay $0x3  }
0x92: {  	_ =	strace s17  }
0x93: {  	s2 =	sld [smem:$0x3FFC];
	_ =	sdelay $0x3  }
0x94: {  	_ =	strace s2  }
0x95: {  	s2 =	sld [smem:$0x3FFD];
	_ =	sdelay $0x3  }
0x96: {  	_ =	strace s2  }
0x97: {  	_ =	strace $0x8FFFFFFF  }
0x98: {  	s18 =	sld [smem:$0x3FDB];
	_ =	sdelay $0x1  }
0x99: {  	s19 =	simm.s32 $_scs_section_size  }
0x9a: {  	s4 =	simm.s32 $_size__tile_overlayer_lowered;
	s5 =	simm.s32 $_tile_overlayer_lowered  }
0x9b: {  	s22 =	simm.s32 $0x1BFF;
	s21 =	sshll.u32 s5, $0x1;
	s2 =	sadd.s32 s19, s18  }
0x9c: {  	s6 =	simm.s32 $0x0;
	s20 =	sshll.u32 s4, $0x1;
	s4 =	sadd.s32 s21, s2  }
0x9d: {  	[timem:s6], [sflag:s22] =	dma.local [hbm:s4], s20  }
0x9e: {  	_ =	swait.ge [sflag:s22], s20  }
0x9f: {  	s3 =	ssub.s32 $0x0, s20;
	[sflag:s22] =	ssyncset.done $0x0  }
0xa0: {  	[sflag:s22] =	ssyncadd.s32 s3;
	_ =	sdelay $0x1  }
0xa1: {  	s23 =	simm.s32 $0x1B8B  }
0xa2: {  	_ =	swait.ge [sflag:s23], $0x1  }
0xa3: {  	[sflag:s23] =	ssyncset.done $0x0  }
0xa4: {  	s25 =	simm.s32 $0x1B8E;
	s24 =	sld [smem:$0x3FFE];
	[sflag:s23] =	ssyncadd.s32 $0xFFFFFFFF  }
0xa5: {  	s26 =	simm.s32 $execute0_lowered;
	[smem:$0x3FD2] =	sst s25  }
0xa6: {  	s4 =	sshll.u32 s26, $0x1;
	_ =	strace $0x8000004F;
	[dreg:$0x1] =	wrdreg $0xFFFFFFFF  }
0xa7: {  	s28 =	simm.s32 $_size_execute0_lowered;
	s2 =	sadd.s32 s2, s4;
	[dreg:$0x0] =	wrdreg $0x0  }
0xa8: {  	s4 =	sshll.u32 s28, $0x1;
	[dreg:$0x2] =	wrdreg s2  }
0xa9: {  	[dreg:$0x3] =	wrdreg s4  }
0xaa: {  	[dreg:$0x4] =	wrdreg $0xC0  }
0xab: {  	_ =	task [dreg:s6], $0x5FFFF  }
0xac: {  	[dreg:$0x1] =	wrdreg $0xFFFFFFFF  }
0xad: {  	[dreg:$0x0] =	wrdreg $0x60  }
0xae: {  	[dreg:$0x2] =	wrdreg s24  }
0xaf: {  	[dreg:$0x3] =	wrdreg $0x6F000  }
0xb0: {  	[dreg:$0x4] =	wrdreg $0x9  }
0xb1: {  	_ =	task.clear_ibuf [dreg:s6], $0x5FFFF;
	_ =	strace $0x9000004F  }
0xb2: {  	s29 =	simm.s32 $0x9;
	_ =	strace $0x80000051  }
0xb3: {  	_ =	swait.ge [sflag:s29], $0x1  }
0xb4: {  	[sflag:s29] =	ssyncadd.s32 $0xFFFFFFFF  }
0xb5: {  	_ =	strace $0x90000051  }
0xb6: {  	_ =	sfence  }
0xb7: {  	s30 =	sld [smem:$0x0];
	_ =	sdelay $0x2  }
0xb8: {  	s31 =	sshll.u32 s1, $0xD;
	s1 =	sshrl.u32 s1, $0x2  }
0xb9: {  	s3 =	sand.u32 $0x4000, s31;
	s1 =	sadd.s32 s1, s30  }
0xba: {  	s0 =	sor.u32 s3, s0;
	s1 =	sshll.u32 s1, $0x11  }
0xbb: {  	s0 =	sor.u32 s1, s0  }
0xbc: {  	s0 =	sadd.s32 $0x8F2B, s0  }
0xbd: {  	[sflag:s0] =	ssyncadd.remote.s32 $0x1  }
0xbe: {  	_ =	sfence.sel $0xFFFF  }
0xbf: {  	[dreg:$0x0] =	wrdreg $0xFFFFFFFF;
	(pc) =	sbr.abs _section_cstart, $3  }
0xc0: {  	[dreg:$0x1] =	wrdreg $0xFFFFFFFF  }
0xc1: {  	_ =	task.clear_ibuf [dreg:s6], $0x2FFFF;
	_ =	strace $0x9FFFFFFF  }
0xc2: {  	(tm) =	ssettm $0x7FFFFFFF  }
0xc3: {  	_ =	shalt  }
tec
execute0_lowered:
.L_overlay_start_1:
0x0: {  	(tag) =	ssettag $0x1  }
0x1: {  	s6 =	rddreg [dreg:$0x0]  }
0x2: {  	s0 =	srdreg.scid;
	s2 =	rddreg [dreg:$0x1];
	s3 =	simm.s32 $0x0  }
0x3: {  	s14 =	simm.s32 $0x4F00;
	s15 =	simm.s32 $0x3;
	s16 =	simm.s32 $0x2780  }
0x4: {  	s17 =	simm.s32 $0x80;
	s5 =	sand.u32 $0x1, s0;
	s0 =	stileid.u32  }
0x5: {  	s18 =	simm.s32 $0x1;
	s19 =	simm.s32 $0x2;
	s8 =	smul.u32 $0xA000, s0  }
0x6: {  	[smem:$0x7FF] =	sst s3;
	s1 =	sshll.u32 s5, $0x4;
	s9 =	smul.u32 $0xA0000, s5  }
0x7: {  	s10 =	smul.u32 $0x28000, s0;
	s5 =	ssub.s32 $0x2, s5;
	s1 =	sor.u32 s0, s1  }
0x8: {  	s4 =	sadd.s32 $0x4A600, s6;
	s30 =	sshrl.u32 s5, $0x1;
	s7 =	smul.u32 $0x4F0, s1  }
0x9: {  	s1 =	rddreg [dreg:$0x2];
	_ =	strace $0x80000050;
	s29 =	sadd.s32 s8, s9  }
0xa: {  	s10 =	sshrl.u32 s10, $0x2;
	s13 =	ssub.s32 s5, s30;
	s5 =	sadd.s32 s8, s2  }
0xb: {  	s31 =	sadd.s32 s10, s2;
	s13 =	smax.u32 s13, $0x1;
	s11 =	sadd.s32 s7, s6  }
0xc: {  	s7 =	sshrl.u32 s29, $0x3;
	s8 =	sadd.s32 $0x6000, s31;
	s9 =	sadd.s32 $0x8000, s31  }
0xd: {  	s12 =	sadd.s32 s7, s6;
	s6 =	sadd.s32 $0x2000, s31;
	s7 =	sadd.s32 $0x4000, s31  }
0xe: {  	v0 =	vimm.f32 $0.0e+00;
	s10 =	sadd.s32 $0x18800, s11;
	s11 =	sadd.s32 $0x4000, s11;
	s12 =	sadd.s32 $0x5E600, s12  }
.LBB2_1:
0xf: {  	s21 =	simm.s32 $0x100;
	s20 =	simm.s32 $0x0  }
.LBB2_2:
0x10: {  	p0 =	sne.s32 s21, $0x7F00;
	[tilespmem:s20+$0x4F30] =	vst v0;
	s22 =	smov.u32 s21;
	s21 =	sadd.s32 $0x100, s21  }
.Ltmp0:
0x11: {  	[tilespmem:s20+$0x4F20] =	vst v0;
	(pc) =	sbr.rel @p0 .LBB2_2-.Ltmp0, $3  }
0x12: {  	[tilespmem:s20+$0x4F00] =	vst v0  }
0x13: {  	[tilespmem:s20+$0x4F10] =	vst v0;
	_ =	sdelay $0x1  }
0x14: {  	s20 =	sshra.s32 s22, $0x2  }
0x15: {  	[tilespmem:s20+$0x4F30] =	vst v0  }
0x16: {  	[tilespmem:s20+$0x4F20] =	vst v0  }
0x17: {  	[tilespmem:s20+$0x4F00] =	vst v0  }
0x18: {  	[tilespmem:s20+$0x4F10] =	vst v0  }
0x19: {  	[spmem:s5] =	stream.linear.scatter [tilespmem:s14], [sflag:$0x3], $0x2000, $0x38;
	[tilespmem:$0x10F00] =	vst v63  }
0x1a: {  	_ =	swait.ge [sflag:s15], $0x2000  }
0x1b: {  	[sflag:s15] =	ssyncset.done $0x0  }
0x1c: {  	[sflag:s15] =	ssyncadd.s32 $0xFFFFE000  }
0x1d: {  	[spmem:s6] =	stream.linear.scatter [tilespmem:s14], [sflag:$0x3], $0x2000, $0x38;
	[tilespmem:$0x10F00] =	vst v63  }
0x1e: {  	_ =	swait.ge [sflag:s15], $0x2000  }
0x1f: {  	[sflag:s15] =	ssyncset.done $0x0  }
0x20: {  	[sflag:s15] =	ssyncadd.s32 $0xFFFFE000  }
0x21: {  	[spmem:s7] =	stream.linear.scatter [tilespmem:s14], [sflag:$0x3], $0x2000, $0x38;
	[tilespmem:$0x10F00] =	vst v63  }
0x22: {  	_ =	swait.ge [sflag:s15], $0x2000  }
0x23: {  	[sflag:s15] =	ssyncset.done $0x0  }
0x24: {  	[sflag:s15] =	ssyncadd.s32 $0xFFFFE000  }
0x25: {  	[spmem:s8] =	stream.linear.scatter [tilespmem:s14], [sflag:$0x3], $0x2000, $0x38;
	[tilespmem:$0x10F00] =	vst v63  }
0x26: {  	_ =	swait.ge [sflag:s15], $0x2000  }
0x27: {  	[sflag:s15] =	ssyncset.done $0x0  }
0x28: {  	[sflag:s15] =	ssyncadd.s32 $0xFFFFE000  }
0x29: {  	[spmem:s9] =	stream.linear.scatter [tilespmem:s14], [sflag:$0x3], $0x2000, $0x38;
	[tilespmem:$0x10F00] =	vst v63  }
0x2a: {  	_ =	swait.ge [sflag:s15], $0x2000  }
0x2b: {  	[sflag:s15] =	ssyncset.done $0x0  }
0x2c: {  	s29 =	simm.s32 $0x0;
	[sflag:s15] =	ssyncadd.s32 $0xFFFFE000  }
0x2d: {  	[tilespmem:s29], [sflag:$0x3] =	stream.linear.gather [hbm4b:s10+s29], $0x2780, $0x38;
	[tilespmem:$0x10F00] =	vst v63  }
0x2e: {  	_ =	swait.ge [sflag:s15], $0x2780  }
0x2f: {  	[sflag:s15] =	ssyncset.done $0x0  }
0x30: {  	[sflag:s15] =	ssyncadd.s32 $0xFFFFD880  }
0x31: {  	[tilespmem:s16], [sflag:$0x3] =	stream.linear.gather [hbm4b:s11+s29], $0x2780, $0x38;
	[tilespmem:$0x10F00] =	vst v63  }
0x32: {  	_ =	swait.ge [sflag:s15], $0x2780  }
0x33: {  	[sflag:s15] =	ssyncset.done $0x0  }
0x34: {  	[sflag:s15] =	ssyncadd.s32 $0xFFFFD880  }
0x35: {  	s30 =	simm.s32 $0x0;
	[bflag:$0x0] =	sbarrier.arrive $0xFFFF  }
0x36: {  	[tilespmem:s14], [sflag:$0x1] =	stream.indirect.gather [hbm4b:s4+s17], $0x40, s30, s17, $0xb8;
	[tilespmem:$0x10F00] =	vst v63  }
0x37: {  	_ =	swait.ge [sflag:s18], $0x2000  }
0x38: {  	[sflag:s18] =	ssyncset.done $0x0  }
0x39: {  	s31 =	simm.s32 $0x2780;
	[sflag:s18] =	ssyncadd.s32 $0xFFFFE000  }
0x3a: {  	[spmem:s2] =	stream.indirect.scatter.add.f32 [tilespmem:s14], [sflag:$0x2], $0x40, s31, s17, $0xb8;
	[tilespmem:$0x10F00] =	vst v63  }
0x3b: {  	_ =	swait.ge [sflag:s19], $0x2000  }
0x3c: {  	s20 =	simm.s32 $0x200;
	s21 =	simm.s32 $0x400;
	[sflag:s19] =	ssyncset.done $0x0  }
.LBB2_4:
0x3d: {  	s22 =	sshra.s32 s20, $0x2  }
0x3e: {  	[sflag:s19] =	ssyncadd.s32 $0xFFFFE000;
	s20 =	smov.u32 s21;
	s23 =	sadd.s32 $0x200, s21  }
0x3f: {  	[tilespmem:s14], [sflag:$0x1] =	stream.indirect.gather [hbm4b:s4+s17], $0x40, s22, s17, $0xb8;
	[tilespmem:$0x10F00] =	vst v63  }
0x40: {  	p0 =	sne.s32 s21, $0x9C00;
	_ =	swait.ge [sflag:s18], $0x2000  }
.Ltmp1:
0x41: {  	[sflag:s18] =	ssyncset.done $0x0;
	(pc) =	sbr.rel @p0 .LBB2_4-.Ltmp1, $4  }
0x42: {  	s21 =	sadd.s32 $0x2780, s22;
	[sflag:s18] =	ssyncadd.s32 $0xFFFFE000  }
0x43: {  	[spmem:s2] =	stream.indirect.scatter.add.f32 [tilespmem:s14], [sflag:$0x2], $0x40, s21, s17, $0xb8;
	[tilespmem:$0x10F00] =	vst v63  }
0x44: {  	_ =	swait.ge [sflag:s19], $0x2000  }
0x45: {  	s21 =	smov.u32 s23;
	[sflag:s19] =	ssyncset.done $0x0  }
0x46: {  	s20 =	sshra.s32 s20, $0x2;
	[sflag:s19] =	ssyncadd.s32 $0xFFFFE000  }
0x47: {  	[tilespmem:s14], [sflag:$0x1] =	stream.indirect.gather [hbm4b:s4+s17], $0x40, s20, s17, $0xb8;
	[tilespmem:$0x10F00] =	vst v63  }
0x48: {  	_ =	swait.ge [sflag:s18], $0x2000  }
0x49: {  	[sflag:s18] =	ssyncset.done $0x0  }
0x4a: {  	s20 =	sadd.s32 $0x2780, s20;
	[sflag:s18] =	ssyncadd.s32 $0xFFFFE000  }
0x4b: {  	[spmem:s2] =	stream.indirect.scatter.add.f32 [tilespmem:s14], [sflag:$0x2], $0x40, s20, s17, $0xb8;
	[tilespmem:$0x10F00] =	vst v63  }
0x4c: {  	_ =	swait.ge [sflag:s19], $0x2000  }
0x4d: {  	s31 =	sshll.u32 s0, $0x6;
	s3 =	sadd.s32 $0x1, s3;
	[sflag:s19] =	ssyncset.done $0x0  }
0x4e: {  	s21 =	sshrl.u32 s5, $0x3;
	p0 =	sne.s32 s3, s13;
	[sflag:s19] =	ssyncadd.s32 $0xFFFFE000  }
.Ltmp2:
0x4f: {  	s20 =	sor.u32 $0x1C03, s31;
	[bflag:$0x0] =	sbarrier.arrive $0xFFFF;
	(pc) =	sbr.rel @p0 .LBB2_1-.Ltmp2, $4  }
0x50: {  	[hbm:s12], [sflag:s20] =	dma.local [spmem:s21], $0x1400  }
0x51: {  	_ =	swait.ge [sflag:s15], $0x1400  }
0x52: {  	[sflag:s15] =	ssyncset.done $0x0  }
0x53: {  	[sflag:s15] =	ssyncadd.s32 $0xFFFFEC00  }
0x54: {  	_ =	sfence.sel $0x180000  }
0x55: {  	[bflag:$0x0] =	sbarrier.arrive $0xFFFF  }
0x56: {  	p0 =	sne.s32 s0, $0x0;
	_ =	strace $0x90000050  }
0x57: {  	s0 =	sadd.s32 @!p0 $0x100000, s1;
	[bflag:$0x2] =	sbarrier.arrive $0xFFFF  }
0x58: {  	[sflag:s0] =	ssyncadd.tile.s32 @!p0 $0x1;
	_ =	shalt  }
.Lfunc_end2:
_tile_overlayer_lowered:
.L_overlay_start_2:
0x59: {  	(tag) =	ssettag $0x2  }
0x5a: {  	s0 =	rddreg [dreg:$0x0];
	s2 =	stileid.u32  }
0x5b: {  	s1 =	rddreg [dreg:$0x1];
	p0 =	sne.s32 s2, $0x0  }
0x5c: {  	s3 =	rddreg [dreg:$0x2];
	[bflag:$0x3] =	sbarrier.arrive $0xFFFF;
	s2 =	simm.s32 @!p0 $0x1C03  }
0x5d: {  	[timem:s3], [sflag:s2] =	dma.local @!p0 [hbm:s0], s1  }
0x5e: {  	s0 =	simm.s32 @!p0 $0x3  }
0x5f: {  	_ =	swait.ge @!p0 [sflag:s0], s1  }
0x60: {  	s1 =	ssub.s32 @!p0 $0x0, s1;
	[sflag:s0] =	ssyncset.done @!p0 $0x0  }
0x61: {  	[sflag:s0] =	ssyncadd.s32 @!p0 s1  }
0x62: {  	[bflag:$0x3] =	sbarrier.arrive $0xFFFF  }
0x63: {  	_ =	shalt  }

</sc_bundles>
